<compile_context>
chip_gen: v7x
topology: tpu7x:2x2x1
jax: 0.10.2.dev20260603
libtpu: 0.0.44.dev20260713+nightly
codegen_flags: <defaults>
</compile_context>

<pallas_src>
import functools
import jax
import jax.numpy as jnp
from jax import lax
from jax.experimental import pallas as pl
from jax.experimental.pallas import tpu as pltpu
from jax.experimental.pallas import tpu_sc as plsc

E = 64
TOP_K = 2
H = 1024
I = 1024
S = 2048
T = 128
NC = 2
NS = 16
NW = NC * NS
TPW = S // NW
PADTOT = 4672


def _router_body(x_ref, gw_ref, eb_ref, dst_ref, oc_ref, wc_ref, ut_ref):
    logits = jax.lax.dot_general(
        gw_ref[...], x_ref[...],
        dimension_numbers=(((1,), (1,)), ((), ())),
        preferred_element_type=jnp.float32)
    rw = jax.nn.sigmoid(logits)
    scores = rw + eb_ref[:, 0:1]
    esub = jax.lax.broadcasted_iota(jnp.int32, (E, S), 0)
    m1 = jnp.max(scores, axis=0, keepdims=True)
    a1 = jnp.min(jnp.where(scores == m1, esub, E), axis=0, keepdims=True)
    sel1 = esub == a1
    masked = jnp.where(sel1, -jnp.inf, scores)
    m2 = jnp.max(masked, axis=0, keepdims=True)
    a2 = jnp.min(jnp.where(masked == m2, esub, E), axis=0, keepdims=True)
    sel2 = esub == a2

    C = 512
    for j0 in range(0, S, C):
        ii = jax.lax.broadcasted_iota(jnp.int32, (S, C), 0)
        jj = jax.lax.broadcasted_iota(jnp.int32, (S, C), 1) + j0
        ut_ref[:, j0:j0 + C] = (ii <= jj).astype(jnp.float32)

    self_f = (sel1 | sel2).astype(jnp.float32)
    rank = jax.lax.dot_general(
        self_f, ut_ref[...], dimension_numbers=(((1,), (0,)), ((), ())),
        preferred_element_type=jnp.float32) - 1.0

    ones_row = jnp.ones((1, S), jnp.float32)
    cnt_row = jax.lax.dot_general(
        ones_row, self_f, dimension_numbers=(((1,), (1,)), ((), ())),
        preferred_element_type=jnp.float32)
    pcnt = (((cnt_row.astype(jnp.int32) + 7) // 8) * 8).astype(jnp.float32)
    ei = jax.lax.broadcasted_iota(jnp.int32, (E, E), 0)
    ej = jax.lax.broadcasted_iota(jnp.int32, (E, E), 1)
    slt = (ei < ej).astype(jnp.float32)
    offs_row = jax.lax.dot_general(
        pcnt, slt, dimension_numbers=(((1,), (0,)), ((), ())),
        preferred_element_type=jnp.float32)

    sel1f = sel1.astype(jnp.float32)
    sel2f = sel2.astype(jnp.float32)
    og1 = jax.lax.dot_general(
        offs_row, sel1f, dimension_numbers=(((1,), (0,)), ((), ())),
        preferred_element_type=jnp.float32,
        precision=jax.lax.Precision.HIGHEST)
    og2 = jax.lax.dot_general(
        offs_row, sel2f, dimension_numbers=(((1,), (0,)), ((), ())),
        preferred_element_type=jnp.float32,
        precision=jax.lax.Precision.HIGHEST)
    r1 = jnp.sum(jnp.where(sel1, rank, 0.0), axis=0, keepdims=True)
    r2 = jnp.sum(jnp.where(sel2, rank, 0.0), axis=0, keepdims=True)
    dest1 = og1 + r1
    dest2 = og2 + r2

    di8 = jax.lax.broadcasted_iota(jnp.int32, (8, S), 0)
    dst_ref[...] = jnp.where(
        di8 == 0, dest1, jnp.where(di8 == 1, dest2, 0.0)).astype(jnp.int32)
    de8 = jax.lax.broadcasted_iota(jnp.int32, (8, E), 0)
    oc_ref[...] = jnp.where(
        de8 == 0, offs_row, jnp.where(de8 == 1, cnt_row, 0.0)).astype(jnp.int32)

    ones_e = jnp.ones((E, 128), jnp.float32)
    w1col = jax.lax.dot_general(
        jnp.where(sel1, rw, 0.0), ones_e,
        dimension_numbers=(((0,), (0,)), ((), ())),
        preferred_element_type=jnp.float32)
    w2col = jax.lax.dot_general(
        jnp.where(sel2, rw, 0.0), ones_e,
        dimension_numbers=(((0,), (0,)), ((), ())),
        preferred_element_type=jnp.float32)
    ssum = w1col + w2col
    wc_ref[:, 0:128] = w1col / ssum
    wc_ref[:, 128:256] = w2col / ssum


def _router(x, gate_w, eb):
    return pl.pallas_call(
        _router_body,
        out_shape=(
            jax.ShapeDtypeStruct((8, S), jnp.int32),
            jax.ShapeDtypeStruct((8, E), jnp.int32),
            jax.ShapeDtypeStruct((S, 256), jnp.float32),
        ),
        in_specs=[
            pl.BlockSpec((S, H), lambda: (0, 0)),
            pl.BlockSpec((E, H), lambda: (0, 0)),
            pl.BlockSpec((E, 128), lambda: (0, 0)),
        ],
        out_specs=(
            pl.BlockSpec((8, S), lambda: (0, 0)),
            pl.BlockSpec((8, E), lambda: (0, 0)),
            pl.BlockSpec((S, 256), lambda: (0, 0)),
        ),
        scratch_shapes=[pltpu.VMEM((S, S), jnp.float32)],
    )(x, gate_w, eb)


def _make_dispatch():
    mesh = plsc.VectorSubcoreMesh(core_axis_name="c", subcore_axis_name="s")

    @functools.partial(
        pl.kernel, mesh=mesh,
        compiler_params=pltpu.CompilerParams(use_tc_tiling_on_sc=True),
        out_type=jax.ShapeDtypeStruct((PADTOT, H // 2), jnp.int32),
        scratch_types=[
            pltpu.VMEM((TPW, H // 2), jnp.int32),
            pltpu.VMEM((TPW,), jnp.int32),
            pltpu.VMEM((TPW,), jnp.int32),
            pltpu.SemaphoreType.DMA,
            pltpu.SemaphoreType.DMA,
        ])
    def disp(xb_hbm, dst_hbm, xs_hbm, rows_v, i1_v, i2_v, s0, s1):
        wid = lax.axis_index("s") * NC + lax.axis_index("c")
        base = wid * TPW
        pltpu.sync_copy(xb_hbm.at[pl.ds(base, TPW)], rows_v)
        pltpu.sync_copy(dst_hbm.at[0, pl.ds(base, TPW)], i1_v)
        pltpu.sync_copy(dst_hbm.at[1, pl.ds(base, TPW)], i2_v)
        c0 = pltpu.async_copy(rows_v, xs_hbm.at[i1_v], s0)
        c1 = pltpu.async_copy(rows_v, xs_hbm.at[i2_v], s1)
        c0.wait()
        c1.wait()

    return disp


def _ffn_body(oc_ref, xs_ref, W1a_ref, W1b_ref, W2a_ref, W2b_ref,
              W3a_ref, W3b_ref, ys_ref):
    e = pl.program_id(0)
    off = oc_ref[0, e]
    cnt = oc_ref[1, e]
    trips = (cnt + T - 1) // T
    HI = I // 2

    def tile_body(t, carry):
        base = pl.multiple_of(off + t * T, 8)
        xsf = xs_ref[pl.ds(base, T), :].astype(jnp.float32)
        dn = (((1,), (1,)), ((), ()))
        a = jnp.concatenate([
            jax.lax.dot_general(xsf, W1a_ref[0], dimension_numbers=dn,
                                preferred_element_type=jnp.float32),
            jax.lax.dot_general(xsf, W1b_ref[0], dimension_numbers=dn,
                                preferred_element_type=jnp.float32),
        ], axis=1)
        bb = jnp.concatenate([
            jax.lax.dot_general(xsf, W3a_ref[0], dimension_numbers=dn,
                                preferred_element_type=jnp.float32),
            jax.lax.dot_general(xsf, W3b_ref[0], dimension_numbers=dn,
                                preferred_element_type=jnp.float32),
        ], axis=1)
        hh = a * jax.nn.sigmoid(a) * bb
        y = (jax.lax.dot_general(
                hh[:, :HI], W2a_ref[0], dimension_numbers=dn,
                preferred_element_type=jnp.float32)
             + jax.lax.dot_general(
                hh[:, HI:], W2b_ref[0], dimension_numbers=dn,
                preferred_element_type=jnp.float32))
        ys_ref[pl.ds(base, T), :] = y.astype(jnp.bfloat16)
        return carry

    jax.lax.fori_loop(0, trips, tile_body, 0)


def _ffn(oc, xs, W1, W2, W3):
    HI = I // 2
    return pl.pallas_call(
        _ffn_body,
        grid=(E,),
        out_shape=jax.ShapeDtypeStruct((PADTOT, H), jnp.bfloat16),
        in_specs=[
            pl.BlockSpec(memory_space=pltpu.SMEM),
            pl.BlockSpec((PADTOT, H), lambda e: (0, 0)),
            pl.BlockSpec((1, HI, H), lambda e: (e, 0, 0)),
            pl.BlockSpec((1, HI, H), lambda e: (e, 1, 0)),
            pl.BlockSpec((1, H, HI), lambda e: (e, 0, 0)),
            pl.BlockSpec((1, H, HI), lambda e: (e, 0, 1)),
            pl.BlockSpec((1, HI, H), lambda e: (e, 0, 0)),
            pl.BlockSpec((1, HI, H), lambda e: (e, 1, 0)),
        ],
        out_specs=pl.BlockSpec((PADTOT, H), lambda e: (0, 0)),
        compiler_params=pltpu.CompilerParams(
            dimension_semantics=("arbitrary",),
            vmem_limit_bytes=66060288),
    )(oc, xs, W1, W1, W2, W2, W3, W3)


def _make_gather():
    mesh = plsc.VectorSubcoreMesh(core_axis_name="c", subcore_axis_name="s")

    @functools.partial(
        pl.kernel, mesh=mesh,
        compiler_params=pltpu.CompilerParams(use_tc_tiling_on_sc=True),
        out_type=[
            jax.ShapeDtypeStruct((S, H // 2), jnp.int32),
            jax.ShapeDtypeStruct((S, H // 2), jnp.int32),
        ],
        scratch_types=[
            pltpu.VMEM((TPW,), jnp.int32),
            pltpu.VMEM((TPW,), jnp.int32),
            pltpu.VMEM((TPW, H // 2), jnp.int32),
            pltpu.VMEM((TPW, H // 2), jnp.int32),
            pltpu.SemaphoreType.DMA,
            pltpu.SemaphoreType.DMA,
        ])
    def gath(ys_hbm, dst_hbm, g1_hbm, g2_hbm, i1_v, i2_v, b1_v, b2_v, s0, s1):
        wid = lax.axis_index("s") * NC + lax.axis_index("c")
        base = wid * TPW
        pltpu.sync_copy(dst_hbm.at[0, pl.ds(base, TPW)], i1_v)
        pltpu.sync_copy(dst_hbm.at[1, pl.ds(base, TPW)], i2_v)
        c0 = pltpu.async_copy(ys_hbm.at[i1_v], b1_v, s0)
        c1 = pltpu.async_copy(ys_hbm.at[i2_v], b2_v, s1)
        c0.wait()
        pltpu.sync_copy(b1_v, g1_hbm.at[pl.ds(base, TPW)])
        c1.wait()
        pltpu.sync_copy(b2_v, g2_hbm.at[pl.ds(base, TPW)])

    return gath


def _combine_body(g1_ref, g2_ref, wc_ref, out_ref):
    w1 = wc_ref[:, 0:1]
    w2 = wc_ref[:, 128:129]
    g1 = g1_ref[...].astype(jnp.float32)
    g2 = g2_ref[...].astype(jnp.float32)
    out_ref[...] = g1 * w1 + g2 * w2


def _combine(g1, g2, wc):
    return pl.pallas_call(
        _combine_body,
        out_shape=jax.ShapeDtypeStruct((S, H), jnp.float32),
        in_specs=[
            pl.BlockSpec((S, H), lambda: (0, 0)),
            pl.BlockSpec((S, H), lambda: (0, 0)),
            pl.BlockSpec((S, 256), lambda: (0, 0)),
        ],
        out_specs=pl.BlockSpec((S, H), lambda: (0, 0)),
    )(g1, g2, wc)


def kernel(hidden_states, gate_w, e_bias, W1, W2, W3):
    b, s, h = hidden_states.shape
    x = hidden_states.reshape(s, h)
    eb = jnp.broadcast_to(e_bias[:, None], (E, 128))

    dests, oc, wc = _router(x, gate_w, eb)

    xb = x.astype(jnp.bfloat16)
    xbi = jax.lax.bitcast_convert_type(
        xb.reshape(S, H // 2, 2), jnp.int32)
    xsi = _make_dispatch()(xbi, dests)
    xs = jax.lax.bitcast_convert_type(
        xsi, jnp.bfloat16).reshape(PADTOT, H)

    ys = _ffn(oc, xs, W1, W2, W3)
    ysi = jax.lax.bitcast_convert_type(
        ys.reshape(PADTOT, H // 2, 2), jnp.int32)

    g1i, g2i = _make_gather()(ysi, dests)
    g1 = jax.lax.bitcast_convert_type(g1i, jnp.bfloat16).reshape(S, H)
    g2 = jax.lax.bitcast_convert_type(g2i, jnp.bfloat16).reshape(S, H)
    out = _combine(g1, g2, wc)
    return out.reshape(b, s, h)

# --- scband reference (transcript-rebuilt; emitter-appended) ---
"""Pipeline reference for scband-hfsparse-moe-block-5162550689806 (READ-ONLY COPY).

The authoritative reference and input builder live on the scoring server;
editing this copy changes nothing except your own understanding.
"""

import jax, jax.numpy as jnp
import numpy as np

E = 64
TOP_K = 2
H = 1024
I = 1024
B = 1
S = 2048


def setup_inputs(seed: int = 0) -> dict:
    key = jax.random.key(seed)
    ks = jax.random.split(key, 6)
    hidden_states = jax.random.normal(ks[0], (B, S, H), dtype=jnp.float32)
    gate_w = jax.random.normal(ks[1], (E, H), dtype=jnp.float32) * 0.02
    e_bias = jnp.zeros((E,), dtype=jnp.float32)
    W1 = jax.random.normal(ks[2], (E, I, H), dtype=jnp.float32) * 0.02
    W2 = jax.random.normal(ks[3], (E, H, I), dtype=jnp.float32) * 0.02
    W3 = jax.random.normal(ks[4], (E, I, H), dtype=jnp.float32) * 0.02
    return {"hidden_states": hidden_states, "gate_w": gate_w, "e_bias": e_bias,
            "W1": W1, "W2": W2, "W3": W3}


def reference(hidden_states, gate_w, e_bias, W1, W2, W3):
    b, s, h = hidden_states.shape
    x = hidden_states.reshape(-1, h)
    router_logits = x @ gate_w.T
    routing_weights = jax.nn.sigmoid(router_logits.astype(jnp.float32))
    scores_for_choice = routing_weights + e_bias[None, :]
    _, selected_experts = jax.lax.top_k(scores_for_choice, TOP_K)
    top_k_weights = jnp.take_along_axis(routing_weights, selected_experts, axis=1)
    top_k_weights = top_k_weights / jnp.sum(top_k_weights, axis=-1, keepdims=True)
    top_k_weights = top_k_weights.astype(x.dtype)
    final = jnp.zeros_like(x)
    num_experts = gate_w.shape[0]
    for e in range(num_experts):
        mask = selected_experts == e
        w = jnp.sum(jnp.where(mask, top_k_weights, jnp.zeros_like(top_k_weights)), axis=1)
        hmid = jax.nn.silu(x @ W1[e].T) * (x @ W3[e].T)
        y = (hmid @ W2[e].T) * w[:, None]
        final = final + y.astype(x.dtype)
    return final.reshape(b, s, h)

if __name__ == "__main__":
    import jax
    _d = setup_inputs()
    print(jax.jit(kernel)(*tuple(_d.values())))

</pallas_src>

<mosaic_0001>
#map = affine_map<(d0, d1) -> (0, 0)>
module attributes {stable_mosaic.version = 14 : i64} {
  func.func @disp(%arg0: i32, %arg1: i32, %arg2: memref<2048x512xi32, #tpu.memory_space<hbm>>, %arg3: memref<8x2048xi32, #tpu.memory_space<hbm>>, %arg4: memref<4672x512xi32, #tpu.memory_space<hbm>>, %arg5: memref<64x512xi32, #tpu.memory_space<vmem>>, %arg6: memref<64xi32, #tpu.memory_space<vmem>>, %arg7: memref<64xi32, #tpu.memory_space<vmem>>, %arg8: memref<!tpu.dma_semaphore, #tpu.memory_space<semaphore_mem>>, %arg9: memref<!tpu.dma_semaphore, #tpu.memory_space<semaphore_mem>>) attributes {dimension_semantics = [#tpu.dimension_semantics<core_parallel>, #tpu.dimension_semantics<subcore_parallel>], iteration_bounds = array<i64: 2, 16>, scalar_prefetch = 0 : i64, scratch_operands = 5 : i64, tpu.core_type = #tpu.core_type<sc_vector_subcore>, window_params = [{transform_indices = #map}, {transform_indices = #map}, {transform_indices = #map}]} {
    %mul3A = arith.constant 2 : i32
    %mul3A_0 = arith.muli %arg1, %mul3A : i32
    %add3A = arith.addi %mul3A_0, %arg0 : i32
    %mul3A_1 = arith.constant 64 : i32
    %mul3A_2 = arith.muli %add3A, %mul3A_1 : i32
    "tpu.region"() ({
      %run_scoped3A_14 = tpu.sem_alloc : memref<!tpu.dma_semaphore, #tpu.memory_space<semaphore_mem>>
      %dma_start3A_15 = arith.constant 0 : i32
      %dma_start3A_16 = tpu.memref_slice %arg2[%mul3A_2, %dma_start3A_15] : memref<2048x512xi32, #tpu.memory_space<hbm>> -> memref<64x512xi32, #tpu.memory_space<hbm>>
      %dma_start3A_17 = arith.constant 0 : i32
      %dma_start3A_18 = tpu.memref_slice %arg2[%mul3A_2, %dma_start3A_17] : memref<2048x512xi32, #tpu.memory_space<hbm>> -> memref<64x512xi32, #tpu.memory_space<hbm>>
      tpu.enqueue_dma source(%dma_start3A_18 : memref<64x512xi32, #tpu.memory_space<hbm>>) target(%arg5 : memref<64x512xi32, #tpu.memory_space<vmem>>) target_semaphore(%run_scoped3A_14 : memref<!tpu.dma_semaphore, #tpu.memory_space<semaphore_mem>>)
      %dma_wait3A_19 = arith.constant 0 : i32
      %dma_wait3A_20 = tpu.memref_slice %arg2[%mul3A_2, %dma_wait3A_19] : memref<2048x512xi32, #tpu.memory_space<hbm>> -> memref<64x512xi32, #tpu.memory_space<hbm>>
      %dma_wait3A_21 = arith.constant 0 : i32
      %dma_wait3A_22 = tpu.memref_slice %arg2[%mul3A_2, %dma_wait3A_21] : memref<2048x512xi32, #tpu.memory_space<hbm>> -> memref<64x512xi32, #tpu.memory_space<hbm>>
      tpu.wait_dma2 semaphore(%run_scoped3A_14 : memref<!tpu.dma_semaphore, #tpu.memory_space<semaphore_mem>>) src(%dma_wait3A_22 : memref<64x512xi32, #tpu.memory_space<hbm>>) dst(%arg5 : memref<64x512xi32, #tpu.memory_space<vmem>>)
      tpu.yield
    }) : () -> ()
    %run_scoped3A = arith.constant 0 : i32
    "tpu.region"() ({
      %run_scoped3A_14 = tpu.sem_alloc : memref<!tpu.dma_semaphore, #tpu.memory_space<semaphore_mem>>
      %dma_start3A_15 = tpu.memref_slice %arg3[%run_scoped3A, %mul3A_2] : memref<8x2048xi32, #tpu.memory_space<hbm>> -> memref<1x64xi32, #tpu.memory_space<hbm>>
      %dma_start3A_16 = tpu.memref_squeeze %dma_start3A_15 : memref<1x64xi32, #tpu.memory_space<hbm>> -> memref<64xi32, #tpu.memory_space<hbm>>
      %dma_start3A_17 = tpu.memref_slice %arg3[%run_scoped3A, %mul3A_2] : memref<8x2048xi32, #tpu.memory_space<hbm>> -> memref<1x64xi32, #tpu.memory_space<hbm>>
      %dma_start3A_18 = tpu.memref_squeeze %dma_start3A_17 : memref<1x64xi32, #tpu.memory_space<hbm>> -> memref<64xi32, #tpu.memory_space<hbm>>
      tpu.enqueue_dma source(%dma_start3A_18 : memref<64xi32, #tpu.memory_space<hbm>>) target(%arg6 : memref<64xi32, #tpu.memory_space<vmem>>) target_semaphore(%run_scoped3A_14 : memref<!tpu.dma_semaphore, #tpu.memory_space<semaphore_mem>>)
      %dma_wait3A_19 = tpu.memref_slice %arg3[%run_scoped3A, %mul3A_2] : memref<8x2048xi32, #tpu.memory_space<hbm>> -> memref<1x64xi32, #tpu.memory_space<hbm>>
      %dma_wait3A_20 = tpu.memref_squeeze %dma_wait3A_19 : memref<1x64xi32, #tpu.memory_space<hbm>> -> memref<64xi32, #tpu.memory_space<hbm>>
      %dma_wait3A_21 = tpu.memref_slice %arg3[%run_scoped3A, %mul3A_2] : memref<8x2048xi32, #tpu.memory_space<hbm>> -> memref<1x64xi32, #tpu.memory_space<hbm>>
      %dma_wait3A_22 = tpu.memref_squeeze %dma_wait3A_21 : memref<1x64xi32, #tpu.memory_space<hbm>> -> memref<64xi32, #tpu.memory_space<hbm>>
      tpu.wait_dma2 semaphore(%run_scoped3A_14 : memref<!tpu.dma_semaphore, #tpu.memory_space<semaphore_mem>>) src(%dma_wait3A_22 : memref<64xi32, #tpu.memory_space<hbm>>) dst(%arg6 : memref<64xi32, #tpu.memory_space<vmem>>)
      tpu.yield
    }) : () -> ()
    %run_scoped3A_3 = arith.constant 1 : i32
    "tpu.region"() ({
      %run_scoped3A_14 = tpu.sem_alloc : memref<!tpu.dma_semaphore, #tpu.memory_space<semaphore_mem>>
      %dma_start3A_15 = tpu.memref_slice %arg3[%run_scoped3A_3, %mul3A_2] : memref<8x2048xi32, #tpu.memory_space<hbm>> -> memref<1x64xi32, #tpu.memory_space<hbm>>
      %dma_start3A_16 = tpu.memref_squeeze %dma_start3A_15 : memref<1x64xi32, #tpu.memory_space<hbm>> -> memref<64xi32, #tpu.memory_space<hbm>>
      %dma_start3A_17 = tpu.memref_slice %arg3[%run_scoped3A_3, %mul3A_2] : memref<8x2048xi32, #tpu.memory_space<hbm>> -> memref<1x64xi32, #tpu.memory_space<hbm>>
      %dma_start3A_18 = tpu.memref_squeeze %dma_start3A_17 : memref<1x64xi32, #tpu.memory_space<hbm>> -> memref<64xi32, #tpu.memory_space<hbm>>
      tpu.enqueue_dma source(%dma_start3A_18 : memref<64xi32, #tpu.memory_space<hbm>>) target(%arg7 : memref<64xi32, #tpu.memory_space<vmem>>) target_semaphore(%run_scoped3A_14 : memref<!tpu.dma_semaphore, #tpu.memory_space<semaphore_mem>>)
      %dma_wait3A_19 = tpu.memref_slice %arg3[%run_scoped3A_3, %mul3A_2] : memref<8x2048xi32, #tpu.memory_space<hbm>> -> memref<1x64xi32, #tpu.memory_space<hbm>>
      %dma_wait3A_20 = tpu.memref_squeeze %dma_wait3A_19 : memref<1x64xi32, #tpu.memory_space<hbm>> -> memref<64xi32, #tpu.memory_space<hbm>>
      %dma_wait3A_21 = tpu.memref_slice %arg3[%run_scoped3A_3, %mul3A_2] : memref<8x2048xi32, #tpu.memory_space<hbm>> -> memref<1x64xi32, #tpu.memory_space<hbm>>
      %dma_wait3A_22 = tpu.memref_squeeze %dma_wait3A_21 : memref<1x64xi32, #tpu.memory_space<hbm>> -> memref<64xi32, #tpu.memory_space<hbm>>
      tpu.wait_dma2 semaphore(%run_scoped3A_14 : memref<!tpu.dma_semaphore, #tpu.memory_space<semaphore_mem>>) src(%dma_wait3A_22 : memref<64xi32, #tpu.memory_space<hbm>>) dst(%arg7 : memref<64xi32, #tpu.memory_space<vmem>>)
      tpu.yield
    }) : () -> ()
    %dma_start3A = arith.constant 0 : i32
    %dma_start3A_4 = arith.constant 0 : i32
    %dma_start3A_5 = tpu.memref_slice %arg4[%dma_start3A, %dma_start3A_4] : memref<4672x512xi32, #tpu.memory_space<hbm>> -> memref<4672x512xi32, #tpu.memory_space<hbm>>
    tpu.enqueue_indirect_dma source(%arg5 : memref<64x512xi32, #tpu.memory_space<vmem>>) target(%dma_start3A_5 : memref<4672x512xi32, #tpu.memory_space<hbm>>) offsets(%arg6 : memref<64xi32, #tpu.memory_space<vmem>>) semaphore(%arg8 : memref<!tpu.dma_semaphore, #tpu.memory_space<semaphore_mem>>)
    %dma_start3A_6 = arith.constant 0 : i32
    %dma_start3A_7 = arith.constant 0 : i32
    %dma_start3A_8 = tpu.memref_slice %arg4[%dma_start3A_6, %dma_start3A_7] : memref<4672x512xi32, #tpu.memory_space<hbm>> -> memref<4672x512xi32, #tpu.memory_space<hbm>>
    tpu.enqueue_indirect_dma source(%arg5 : memref<64x512xi32, #tpu.memory_space<vmem>>) target(%dma_start3A_8 : memref<4672x512xi32, #tpu.memory_space<hbm>>) offsets(%arg7 : memref<64xi32, #tpu.memory_space<vmem>>) semaphore(%arg9 : memref<!tpu.dma_semaphore, #tpu.memory_space<semaphore_mem>>)
    %dma_wait3A = arith.constant 0 : i32
    %dma_wait3A_9 = arith.constant 0 : i32
    %dma_wait3A_10 = tpu.memref_slice %arg4[%dma_wait3A, %dma_wait3A_9] : memref<4672x512xi32, #tpu.memory_space<hbm>> -> memref<4672x512xi32, #tpu.memory_space<hbm>>
    tpu.wait_indirect_dma semaphore(%arg8 : memref<!tpu.dma_semaphore, #tpu.memory_space<semaphore_mem>>) src(%arg5 : memref<64x512xi32, #tpu.memory_space<vmem>>) dst(%dma_wait3A_10 : memref<4672x512xi32, #tpu.memory_space<hbm>>)
    %dma_wait3A_11 = arith.constant 0 : i32
    %dma_wait3A_12 = arith.constant 0 : i32
    %dma_wait3A_13 = tpu.memref_slice %arg4[%dma_wait3A_11, %dma_wait3A_12] : memref<4672x512xi32, #tpu.memory_space<hbm>> -> memref<4672x512xi32, #tpu.memory_space<hbm>>
    tpu.wait_indirect_dma semaphore(%arg9 : memref<!tpu.dma_semaphore, #tpu.memory_space<semaphore_mem>>) src(%arg5 : memref<64x512xi32, #tpu.memory_space<vmem>>) dst(%dma_wait3A_13 : memref<4672x512xi32, #tpu.memory_space<hbm>>)
    return
  }
}

#map = affine_map<(d0, d1) -> (0, 0)>
module attributes {stable_mosaic.version = 14 : i64} {
  func.func @gath(%arg0: i32, %arg1: i32, %arg2: memref<4672x512xi32, #tpu.memory_space<hbm>>, %arg3: memref<8x2048xi32, #tpu.memory_space<hbm>>, %arg4: memref<2048x512xi32, #tpu.memory_space<hbm>>, %arg5: memref<2048x512xi32, #tpu.memory_space<hbm>>, %arg6: memref<64xi32, #tpu.memory_space<vmem>>, %arg7: memref<64xi32, #tpu.memory_space<vmem>>, %arg8: memref<64x512xi32, #tpu.memory_space<vmem>>, %arg9: memref<64x512xi32, #tpu.memory_space<vmem>>, %arg10: memref<!tpu.dma_semaphore, #tpu.memory_space<semaphore_mem>>, %arg11: memref<!tpu.dma_semaphore, #tpu.memory_space<semaphore_mem>>) attributes {dimension_semantics = [#tpu.dimension_semantics<core_parallel>, #tpu.dimension_semantics<subcore_parallel>], iteration_bounds = array<i64: 2, 16>, scalar_prefetch = 0 : i64, scratch_operands = 6 : i64, tpu.core_type = #tpu.core_type<sc_vector_subcore>, window_params = [{transform_indices = #map}, {transform_indices = #map}, {transform_indices = #map}, {transform_indices = #map}]} {
    %mul3A = arith.constant 2 : i32
    %mul3A_0 = arith.muli %arg1, %mul3A : i32
    %add3A = arith.addi %mul3A_0, %arg0 : i32
    %mul3A_1 = arith.constant 64 : i32
    %mul3A_2 = arith.muli %add3A, %mul3A_1 : i32
    %run_scoped3A = arith.constant 0 : i32
    "tpu.region"() ({
      %run_scoped3A_14 = tpu.sem_alloc : memref<!tpu.dma_semaphore, #tpu.memory_space<semaphore_mem>>
      %dma_start3A_15 = tpu.memref_slice %arg3[%run_scoped3A, %mul3A_2] : memref<8x2048xi32, #tpu.memory_space<hbm>> -> memref<1x64xi32, #tpu.memory_space<hbm>>
      %dma_start3A_16 = tpu.memref_squeeze %dma_start3A_15 : memref<1x64xi32, #tpu.memory_space<hbm>> -> memref<64xi32, #tpu.memory_space<hbm>>
      %dma_start3A_17 = tpu.memref_slice %arg3[%run_scoped3A, %mul3A_2] : memref<8x2048xi32, #tpu.memory_space<hbm>> -> memref<1x64xi32, #tpu.memory_space<hbm>>
      %dma_start3A_18 = tpu.memref_squeeze %dma_start3A_17 : memref<1x64xi32, #tpu.memory_space<hbm>> -> memref<64xi32, #tpu.memory_space<hbm>>
      tpu.enqueue_dma source(%dma_start3A_18 : memref<64xi32, #tpu.memory_space<hbm>>) target(%arg6 : memref<64xi32, #tpu.memory_space<vmem>>) target_semaphore(%run_scoped3A_14 : memref<!tpu.dma_semaphore, #tpu.memory_space<semaphore_mem>>)
      %dma_wait3A_19 = tpu.memref_slice %arg3[%run_scoped3A, %mul3A_2] : memref<8x2048xi32, #tpu.memory_space<hbm>> -> memref<1x64xi32, #tpu.memory_space<hbm>>
      %dma_wait3A_20 = tpu.memref_squeeze %dma_wait3A_19 : memref<1x64xi32, #tpu.memory_space<hbm>> -> memref<64xi32, #tpu.memory_space<hbm>>
      %dma_wait3A_21 = tpu.memref_slice %arg3[%run_scoped3A, %mul3A_2] : memref<8x2048xi32, #tpu.memory_space<hbm>> -> memref<1x64xi32, #tpu.memory_space<hbm>>
      %dma_wait3A_22 = tpu.memref_squeeze %dma_wait3A_21 : memref<1x64xi32, #tpu.memory_space<hbm>> -> memref<64xi32, #tpu.memory_space<hbm>>
      tpu.wait_dma2 semaphore(%run_scoped3A_14 : memref<!tpu.dma_semaphore, #tpu.memory_space<semaphore_mem>>) src(%dma_wait3A_22 : memref<64xi32, #tpu.memory_space<hbm>>) dst(%arg6 : memref<64xi32, #tpu.memory_space<vmem>>)
      tpu.yield
    }) : () -> ()
    %run_scoped3A_3 = arith.constant 1 : i32
    "tpu.region"() ({
      %run_scoped3A_14 = tpu.sem_alloc : memref<!tpu.dma_semaphore, #tpu.memory_space<semaphore_mem>>
      %dma_start3A_15 = tpu.memref_slice %arg3[%run_scoped3A_3, %mul3A_2] : memref<8x2048xi32, #tpu.memory_space<hbm>> -> memref<1x64xi32, #tpu.memory_space<hbm>>
      %dma_start3A_16 = tpu.memref_squeeze %dma_start3A_15 : memref<1x64xi32, #tpu.memory_space<hbm>> -> memref<64xi32, #tpu.memory_space<hbm>>
      %dma_start3A_17 = tpu.memref_slice %arg3[%run_scoped3A_3, %mul3A_2] : memref<8x2048xi32, #tpu.memory_space<hbm>> -> memref<1x64xi32, #tpu.memory_space<hbm>>
      %dma_start3A_18 = tpu.memref_squeeze %dma_start3A_17 : memref<1x64xi32, #tpu.memory_space<hbm>> -> memref<64xi32, #tpu.memory_space<hbm>>
      tpu.enqueue_dma source(%dma_start3A_18 : memref<64xi32, #tpu.memory_space<hbm>>) target(%arg7 : memref<64xi32, #tpu.memory_space<vmem>>) target_semaphore(%run_scoped3A_14 : memref<!tpu.dma_semaphore, #tpu.memory_space<semaphore_mem>>)
      %dma_wait3A_19 = tpu.memref_slice %arg3[%run_scoped3A_3, %mul3A_2] : memref<8x2048xi32, #tpu.memory_space<hbm>> -> memref<1x64xi32, #tpu.memory_space<hbm>>
      %dma_wait3A_20 = tpu.memref_squeeze %dma_wait3A_19 : memref<1x64xi32, #tpu.memory_space<hbm>> -> memref<64xi32, #tpu.memory_space<hbm>>
      %dma_wait3A_21 = tpu.memref_slice %arg3[%run_scoped3A_3, %mul3A_2] : memref<8x2048xi32, #tpu.memory_space<hbm>> -> memref<1x64xi32, #tpu.memory_space<hbm>>
      %dma_wait3A_22 = tpu.memref_squeeze %dma_wait3A_21 : memref<1x64xi32, #tpu.memory_space<hbm>> -> memref<64xi32, #tpu.memory_space<hbm>>
      tpu.wait_dma2 semaphore(%run_scoped3A_14 : memref<!tpu.dma_semaphore, #tpu.memory_space<semaphore_mem>>) src(%dma_wait3A_22 : memref<64xi32, #tpu.memory_space<hbm>>) dst(%arg7 : memref<64xi32, #tpu.memory_space<vmem>>)
      tpu.yield
    }) : () -> ()
    %dma_start3A = arith.constant 0 : i32
    %dma_start3A_4 = arith.constant 0 : i32
    %dma_start3A_5 = tpu.memref_slice %arg2[%dma_start3A, %dma_start3A_4] : memref<4672x512xi32, #tpu.memory_space<hbm>> -> memref<4672x512xi32, #tpu.memory_space<hbm>>
    tpu.enqueue_indirect_dma source(%dma_start3A_5 : memref<4672x512xi32, #tpu.memory_space<hbm>>) target(%arg8 : memref<64x512xi32, #tpu.memory_space<vmem>>) offsets(%arg6 : memref<64xi32, #tpu.memory_space<vmem>>) semaphore(%arg10 : memref<!tpu.dma_semaphore, #tpu.memory_space<semaphore_mem>>)
    %dma_start3A_6 = arith.constant 0 : i32
    %dma_start3A_7 = arith.constant 0 : i32
    %dma_start3A_8 = tpu.memref_slice %arg2[%dma_start3A_6, %dma_start3A_7] : memref<4672x512xi32, #tpu.memory_space<hbm>> -> memref<4672x512xi32, #tpu.memory_space<hbm>>
    tpu.enqueue_indirect_dma source(%dma_start3A_8 : memref<4672x512xi32, #tpu.memory_space<hbm>>) target(%arg9 : memref<64x512xi32, #tpu.memory_space<vmem>>) offsets(%arg7 : memref<64xi32, #tpu.memory_space<vmem>>) semaphore(%arg11 : memref<!tpu.dma_semaphore, #tpu.memory_space<semaphore_mem>>)
    %dma_wait3A = arith.constant 0 : i32
    %dma_wait3A_9 = arith.constant 0 : i32
    %dma_wait3A_10 = tpu.memref_slice %arg2[%dma_wait3A, %dma_wait3A_9] : memref<4672x512xi32, #tpu.memory_space<hbm>> -> memref<4672x512xi32, #tpu.memory_space<hbm>>
    tpu.wait_indirect_dma semaphore(%arg10 : memref<!tpu.dma_semaphore, #tpu.memory_space<semaphore_mem>>) src(%dma_wait3A_10 : memref<4672x512xi32, #tpu.memory_space<hbm>>) dst(%arg8 : memref<64x512xi32, #tpu.memory_space<vmem>>)
    "tpu.region"() ({
      %run_scoped3A_14 = tpu.sem_alloc : memref<!tpu.dma_semaphore, #tpu.memory_space<semaphore_mem>>
      %dma_start3A_15 = arith.constant 0 : i32
      %dma_start3A_16 = tpu.memref_slice %arg4[%mul3A_2, %dma_start3A_15] : memref<2048x512xi32, #tpu.memory_space<hbm>> -> memref<64x512xi32, #tpu.memory_space<hbm>>
      %dma_start3A_17 = arith.constant 0 : i32
      %dma_start3A_18 = tpu.memref_slice %arg4[%mul3A_2, %dma_start3A_17] : memref<2048x512xi32, #tpu.memory_space<hbm>> -> memref<64x512xi32, #tpu.memory_space<hbm>>
      tpu.enqueue_dma source(%arg8 : memref<64x512xi32, #tpu.memory_space<vmem>>) target(%dma_start3A_18 : memref<64x512xi32, #tpu.memory_space<hbm>>) target_semaphore(%run_scoped3A_14 : memref<!tpu.dma_semaphore, #tpu.memory_space<semaphore_mem>>)
      %dma_wait3A_19 = arith.constant 0 : i32
      %dma_wait3A_20 = tpu.memref_slice %arg4[%mul3A_2, %dma_wait3A_19] : memref<2048x512xi32, #tpu.memory_space<hbm>> -> memref<64x512xi32, #tpu.memory_space<hbm>>
      %dma_wait3A_21 = arith.constant 0 : i32
      %dma_wait3A_22 = tpu.memref_slice %arg4[%mul3A_2, %dma_wait3A_21] : memref<2048x512xi32, #tpu.memory_space<hbm>> -> memref<64x512xi32, #tpu.memory_space<hbm>>
      tpu.wait_dma2 semaphore(%run_scoped3A_14 : memref<!tpu.dma_semaphore, #tpu.memory_space<semaphore_mem>>) src(%arg8 : memref<64x512xi32, #tpu.memory_space<vmem>>) dst(%dma_wait3A_22 : memref<64x512xi32, #tpu.memory_space<hbm>>)
      tpu.yield
    }) : () -> ()
    %dma_wait3A_11 = arith.constant 0 : i32
    %dma_wait3A_12 = arith.constant 0 : i32
    %dma_wait3A_13 = tpu.memref_slice %arg2[%dma_wait3A_11, %dma_wait3A_12] : memref<4672x512xi32, #tpu.memory_space<hbm>> -> memref<4672x512xi32, #tpu.memory_space<hbm>>
    tpu.wait_indirect_dma semaphore(%arg11 : memref<!tpu.dma_semaphore, #tpu.memory_space<semaphore_mem>>) src(%dma_wait3A_13 : memref<4672x512xi32, #tpu.memory_space<hbm>>) dst(%arg9 : memref<64x512xi32, #tpu.memory_space<vmem>>)
    "tpu.region"() ({
      %run_scoped3A_14 = tpu.sem_alloc : memref<!tpu.dma_semaphore, #tpu.memory_space<semaphore_mem>>
      %dma_start3A_15 = arith.constant 0 : i32
      %dma_start3A_16 = tpu.memref_slice %arg5[%mul3A_2, %dma_start3A_15] : memref<2048x512xi32, #tpu.memory_space<hbm>> -> memref<64x512xi32, #tpu.memory_space<hbm>>
      %dma_start3A_17 = arith.constant 0 : i32
      %dma_start3A_18 = tpu.memref_slice %arg5[%mul3A_2, %dma_start3A_17] : memref<2048x512xi32, #tpu.memory_space<hbm>> -> memref<64x512xi32, #tpu.memory_space<hbm>>
      tpu.enqueue_dma source(%arg9 : memref<64x512xi32, #tpu.memory_space<vmem>>) target(%dma_start3A_18 : memref<64x512xi32, #tpu.memory_space<hbm>>) target_semaphore(%run_scoped3A_14 : memref<!tpu.dma_semaphore, #tpu.memory_space<semaphore_mem>>)
      %dma_wait3A_19 = arith.constant 0 : i32
      %dma_wait3A_20 = tpu.memref_slice %arg5[%mul3A_2, %dma_wait3A_19] : memref<2048x512xi32, #tpu.memory_space<hbm>> -> memref<64x512xi32, #tpu.memory_space<hbm>>
      %dma_wait3A_21 = arith.constant 0 : i32
      %dma_wait3A_22 = tpu.memref_slice %arg5[%mul3A_2, %dma_wait3A_21] : memref<2048x512xi32, #tpu.memory_space<hbm>> -> memref<64x512xi32, #tpu.memory_space<hbm>>
      tpu.wait_dma2 semaphore(%run_scoped3A_14 : memref<!tpu.dma_semaphore, #tpu.memory_space<semaphore_mem>>) src(%arg9 : memref<64x512xi32, #tpu.memory_space<vmem>>) dst(%dma_wait3A_22 : memref<64x512xi32, #tpu.memory_space<hbm>>)
      tpu.yield
    }) : () -> ()
    return
  }
}

module attributes {stable_mosaic.version = 14 : i64} {
  func.func @_router_body(%arg0: memref<2048x1024xf32, #tpu.memory_space<vmem>>, %arg1: memref<64x1024xf32, #tpu.memory_space<vmem>>, %arg2: memref<64x128xf32, #tpu.memory_space<vmem>>, %arg3: memref<8x2048xi32, #tpu.memory_space<vmem>>, %arg4: memref<8x64xi32, #tpu.memory_space<vmem>>, %arg5: memref<2048x256xf32, #tpu.memory_space<vmem>>, %arg6: memref<2048x2048xf32, #tpu.memory_space<vmem>>) attributes {dimension_semantics = [], scalar_prefetch = 0 : i64, scratch_operands = 1 : i64, tpu.core_type = #tpu.core_type<tc>} {
    %get3A = arith.constant 0 : index
    %get3A_0 = arith.constant 0 : index
    %get3A_1 = vector.load %arg1[%get3A, %get3A_0] : memref<64x1024xf32, #tpu.memory_space<vmem>>, vector<64x1024xf32>
    %get3A_2 = arith.constant 0 : index
    %get3A_3 = arith.constant 0 : index
    %get3A_4 = vector.load %arg0[%get3A_2, %get3A_3] : memref<2048x1024xf32, #tpu.memory_space<vmem>>, vector<2048x1024xf32>
    %dot_general3A = arith.constant dense<0.000000e+00> : vector<64x2048xf32>
    %dot_general3A_5 = tpu.matmul %get3A_1, %get3A_4, %dot_general3A {dimension_numbers = #tpu.dot_dimension_numbers<[1], [1], [0], [0], [0, 0, 1, 0], [], []>, transpose_lhs_hint = false} : vector<64x1024xf32>, vector<2048x1024xf32>, vector<64x2048xf32> -> vector<64x2048xf32>
    %logistic3A = arith.negf %dot_general3A_5 : vector<64x2048xf32>
    %logistic3A_6 = math.exp %logistic3A : vector<64x2048xf32>
    %logistic3A_7 = arith.constant 1.000000e+00 : f32
    %logistic3A_8 = vector.broadcast %logistic3A_7 : f32 to vector<64x2048xf32>
    %logistic3A_9 = arith.addf %logistic3A_8, %logistic3A_6 : vector<64x2048xf32>
    %logistic3A_10 = arith.divf %logistic3A_8, %logistic3A_9 : vector<64x2048xf32>
    %get3A_11 = arith.constant 0 : index
    %get3A_12 = arith.constant 0 : index
    %get3A_13 = vector.load %arg2[%get3A_11, %get3A_12] : memref<64x128xf32, #tpu.memory_space<vmem>>, vector<64x1xf32>
    %add3A = vector.broadcast %get3A_13 : vector<64x1xf32> to vector<64x2048xf32>
    %add3A_14 = arith.addf %logistic3A_10, %add3A : vector<64x2048xf32>
    %iota3A = tpu.iota {dimensions = array<i32: 0>} : vector<64x2048xi32>
    %reduce_max3A = arith.constant dense<0xFF800000> : vector<2048xf32>
    %reduce_max3A_15 = vector.multi_reduction <maximumf>, %add3A_14, %reduce_max3A [0] : vector<64x2048xf32> to vector<2048xf32>
    %broadcast_in_dim3A = vector.shape_cast %reduce_max3A_15 : vector<2048xf32> to vector<1x2048xf32>
    %eq3A = vector.broadcast %broadcast_in_dim3A : vector<1x2048xf32> to vector<64x2048xf32>
    %eq3A_16 = arith.cmpf oeq, %add3A_14, %eq3A : vector<64x2048xf32>
    %jit3A = arith.constant 64 : i32
    %broadcast_in_dim3A_17 = vector.broadcast %jit3A : i32 to vector<64x2048xi32>
    %select_n3A = arith.select %eq3A_16, %iota3A, %broadcast_in_dim3A_17 : vector<64x2048xi1>, vector<64x2048xi32>
    %reduce_min3A = arith.constant dense<2147483647> : vector<2048xi32>
    %reduce_min3A_18 = vector.multi_reduction <minsi>, %select_n3A, %reduce_min3A [0] : vector<64x2048xi32> to vector<2048xi32>
    %broadcast_in_dim3A_19 = vector.shape_cast %reduce_min3A_18 : vector<2048xi32> to vector<1x2048xi32>
    %eq3A_20 = vector.broadcast %broadcast_in_dim3A_19 : vector<1x2048xi32> to vector<64x2048xi32>
    %eq3A_21 = arith.cmpi eq, %iota3A, %eq3A_20 : vector<64x2048xi32>
    %jit3A_22 = arith.constant 0xFF800000 : f32
    %broadcast_in_dim3A_23 = vector.broadcast %jit3A_22 : f32 to vector<64x2048xf32>
    %select_n3A_24 = arith.select %eq3A_21, %broadcast_in_dim3A_23, %add3A_14 : vector<64x2048xi1>, vector<64x2048xf32>
    %reduce_max3A_25 = arith.constant dense<0xFF800000> : vector<2048xf32>
    %reduce_max3A_26 = vector.multi_reduction <maximumf>, %select_n3A_24, %reduce_max3A_25 [0] : vector<64x2048xf32> to vector<2048xf32>
    %broadcast_in_dim3A_27 = vector.shape_cast %reduce_max3A_26 : vector<2048xf32> to vector<1x2048xf32>
    %eq3A_28 = vector.broadcast %broadcast_in_dim3A_27 : vector<1x2048xf32> to vector<64x2048xf32>
    %eq3A_29 = arith.cmpf oeq, %select_n3A_24, %eq3A_28 : vector<64x2048xf32>
    %jit3A_30 = arith.constant 64 : i32
    %broadcast_in_dim3A_31 = vector.broadcast %jit3A_30 : i32 to vector<64x2048xi32>
    %select_n3A_32 = arith.select %eq3A_29, %iota3A, %broadcast_in_dim3A_31 : vector<64x2048xi1>, vector<64x2048xi32>
    %reduce_min3A_33 = arith.constant dense<2147483647> : vector<2048xi32>
    %reduce_min3A_34 = vector.multi_reduction <minsi>, %select_n3A_32, %reduce_min3A_33 [0] : vector<64x2048xi32> to vector<2048xi32>
    %broadcast_in_dim3A_35 = vector.shape_cast %reduce_min3A_34 : vector<2048xi32> to vector<1x2048xi32>
    %eq3A_36 = vector.broadcast %broadcast_in_dim3A_35 : vector<1x2048xi32> to vector<64x2048xi32>
    %eq3A_37 = arith.cmpi eq, %iota3A, %eq3A_36 : vector<64x2048xi32>
    %iota3A_38 = tpu.iota {dimensions = array<i32: 0>} : vector<2048x512xi32>
    %iota3A_39 = tpu.iota {dimensions = array<i32: 1>} : vector<2048x512xi32>
    %add3A_40 = arith.constant 0 : i32
    %add3A_41 = vector.broadcast %add3A_40 : i32 to vector<2048x512xi32>
    %add3A_42 = arith.addi %iota3A_39, %add3A_41 : vector<2048x512xi32>
    %le3A = arith.cmpi sle, %iota3A_38, %add3A_42 : vector<2048x512xi32>
    %convert_element_type3A = arith.extui %le3A : vector<2048x512xi1> to vector<2048x512xi32>
    %convert_element_type3A_43 = arith.sitofp %convert_element_type3A : vector<2048x512xi32> to vector<2048x512xf32>
    %swap3A = arith.constant 0 : index
    %swap3A_44 = arith.constant 0 : index
    %swap3A_45 = vector.load %arg6[%swap3A, %swap3A_44] : memref<2048x2048xf32, #tpu.memory_space<vmem>>, vector<2048x512xf32>
    tpu.vector_store %arg6[%swap3A, %swap3A_44], %convert_element_type3A_43 {strides = array<i32>} : memref<2048x2048xf32, #tpu.memory_space<vmem>>, vector<2048x512xf32>,
    %iota3A_46 = tpu.iota {dimensions = array<i32: 0>} : vector<2048x512xi32>
    %iota3A_47 = tpu.iota {dimensions = array<i32: 1>} : vector<2048x512xi32>
    %add3A_48 = arith.constant 512 : i32
    %add3A_49 = vector.broadcast %add3A_48 : i32 to vector<2048x512xi32>
    %add3A_50 = arith.addi %iota3A_47, %add3A_49 : vector<2048x512xi32>
    %le3A_51 = arith.cmpi sle, %iota3A_46, %add3A_50 : vector<2048x512xi32>
    %convert_element_type3A_52 = arith.extui %le3A_51 : vector<2048x512xi1> to vector<2048x512xi32>
    %convert_element_type3A_53 = arith.sitofp %convert_element_type3A_52 : vector<2048x512xi32> to vector<2048x512xf32>
    %swap3A_54 = arith.constant 0 : index
    %swap3A_55 = arith.constant 512 : index
    %swap3A_56 = vector.load %arg6[%swap3A_54, %swap3A_55] : memref<2048x2048xf32, #tpu.memory_space<vmem>>, vector<2048x512xf32>
    tpu.vector_store %arg6[%swap3A_54, %swap3A_55], %convert_element_type3A_53 {strides = array<i32>} : memref<2048x2048xf32, #tpu.memory_space<vmem>>, vector<2048x512xf32>,
    %iota3A_57 = tpu.iota {dimensions = array<i32: 0>} : vector<2048x512xi32>
    %iota3A_58 = tpu.iota {dimensions = array<i32: 1>} : vector<2048x512xi32>
    %add3A_59 = arith.constant 1024 : i32
    %add3A_60 = vector.broadcast %add3A_59 : i32 to vector<2048x512xi32>
    %add3A_61 = arith.addi %iota3A_58, %add3A_60 : vector<2048x512xi32>
    %le3A_62 = arith.cmpi sle, %iota3A_57, %add3A_61 : vector<2048x512xi32>
    %convert_element_type3A_63 = arith.extui %le3A_62 : vector<2048x512xi1> to vector<2048x512xi32>
    %convert_element_type3A_64 = arith.sitofp %convert_element_type3A_63 : vector<2048x512xi32> to vector<2048x512xf32>
    %swap3A_65 = arith.constant 0 : index
    %swap3A_66 = arith.constant 1024 : index
    %swap3A_67 = vector.load %arg6[%swap3A_65, %swap3A_66] : memref<2048x2048xf32, #tpu.memory_space<vmem>>, vector<2048x512xf32>
    tpu.vector_store %arg6[%swap3A_65, %swap3A_66], %convert_element_type3A_64 {strides = array<i32>} : memref<2048x2048xf32, #tpu.memory_space<vmem>>, vector<2048x512xf32>,
    %iota3A_68 = tpu.iota {dimensions = array<i32: 0>} : vector<2048x512xi32>
    %iota3A_69 = tpu.iota {dimensions = array<i32: 1>} : vector<2048x512xi32>
    %add3A_70 = arith.constant 1536 : i32
    %add3A_71 = vector.broadcast %add3A_70 : i32 to vector<2048x512xi32>
    %add3A_72 = arith.addi %iota3A_69, %add3A_71 : vector<2048x512xi32>
    %le3A_73 = arith.cmpi sle, %iota3A_68, %add3A_72 : vector<2048x512xi32>
    %convert_element_type3A_74 = arith.extui %le3A_73 : vector<2048x512xi1> to vector<2048x512xi32>
    %convert_element_type3A_75 = arith.sitofp %convert_element_type3A_74 : vector<2048x512xi32> to vector<2048x512xf32>
    %swap3A_76 = arith.constant 0 : index
    %swap3A_77 = arith.constant 1536 : index
    %swap3A_78 = vector.load %arg6[%swap3A_76, %swap3A_77] : memref<2048x2048xf32, #tpu.memory_space<vmem>>, vector<2048x512xf32>
    tpu.vector_store %arg6[%swap3A_76, %swap3A_77], %convert_element_type3A_75 {strides = array<i32>} : memref<2048x2048xf32, #tpu.memory_space<vmem>>, vector<2048x512xf32>,
    %or3A = arith.ori %eq3A_21, %eq3A_37 : vector<64x2048xi1>
    %convert_element_type3A_79 = arith.extui %or3A : vector<64x2048xi1> to vector<64x2048xi32>
    %convert_element_type3A_80 = arith.sitofp %convert_element_type3A_79 : vector<64x2048xi32> to vector<64x2048xf32>
    %get3A_81 = arith.constant 0 : index
    %get3A_82 = arith.constant 0 : index
    %get3A_83 = vector.load %arg6[%get3A_81, %get3A_82] : memref<2048x2048xf32, #tpu.memory_space<vmem>>, vector<2048x2048xf32>
    %dot_general3A_84 = arith.constant dense<0.000000e+00> : vector<64x2048xf32>
    %dot_general3A_85 = tpu.matmul %convert_element_type3A_80, %get3A_83, %dot_general3A_84 {dimension_numbers = #tpu.dot_dimension_numbers<[1], [0], [0], [1], [0, 0, 1, 1], [], []>, transpose_lhs_hint = false} : vector<64x2048xf32>, vector<2048x2048xf32>, vector<64x2048xf32> -> vector<64x2048xf32>
    %sub3A = arith.constant 1.000000e+00 : f32
    %sub3A_86 = vector.broadcast %sub3A : f32 to vector<64x2048xf32>
    %sub3A_87 = arith.subf %dot_general3A_85, %sub3A_86 : vector<64x2048xf32>
    %broadcast_in_dim3A_88 = arith.constant 1.000000e+00 : f32
    %broadcast_in_dim3A_89 = vector.broadcast %broadcast_in_dim3A_88 : f32 to vector<1x2048xf32>
    %dot_general3A_90 = arith.constant dense<0.000000e+00> : vector<1x64xf32>
    %dot_general3A_91 = tpu.matmul %broadcast_in_dim3A_89, %convert_element_type3A_80, %dot_general3A_90 {dimension_numbers = #tpu.dot_dimension_numbers<[1], [1], [0], [0], [0, 0, 1, 0], [], []>, transpose_lhs_hint = false} : vector<1x2048xf32>, vector<64x2048xf32>, vector<1x64xf32> -> vector<1x64xf32>
    %convert_element_type3A_92 = arith.fptosi %dot_general3A_91 : vector<1x64xf32> to vector<1x64xi32>
    %add3A_93 = arith.constant 7 : i32
    %add3A_94 = vector.broadcast %add3A_93 : i32 to vector<1x64xi32>
    %add3A_95 = arith.addi %convert_element_type3A_92, %add3A_94 : vector<1x64xi32>
    %jit3A_96 = arith.constant 8 : i32
    %div3A = vector.broadcast %jit3A_96 : i32 to vector<1x64xi32>
    %div3A_97 = arith.divsi %add3A_95, %div3A : vector<1x64xi32>
    %sign3A = arith.constant 0 : i32
    %sign3A_98 = vector.broadcast %sign3A : i32 to vector<1x64xi32>
    %sign3A_99 = arith.cmpi sgt, %add3A_95, %sign3A_98 : vector<1x64xi32>
    %sign3A_100 = arith.extui %sign3A_99 : vector<1x64xi1> to vector<1x64xi32>
    %sign3A_101 = arith.constant 0 : i32
    %sign3A_102 = vector.broadcast %sign3A_101 : i32 to vector<1x64xi32>
    %sign3A_103 = arith.cmpi slt, %add3A_95, %sign3A_102 : vector<1x64xi32>
    %sign3A_104 = arith.extui %sign3A_103 : vector<1x64xi1> to vector<1x64xi32>
    %sign3A_105 = arith.subi %sign3A_100, %sign3A_104 : vector<1x64xi32>
    %sign3A_106 = arith.constant 0 : i32
    %sign3A_107 = arith.cmpi sgt, %jit3A_96, %sign3A_106 : i32
    %sign3A_108 = arith.extui %sign3A_107 : i1 to i32
    %sign3A_109 = arith.constant 0 : i32
    %sign3A_110 = arith.cmpi slt, %jit3A_96, %sign3A_109 : i32
    %sign3A_111 = arith.extui %sign3A_110 : i1 to i32
    %sign3A_112 = arith.subi %sign3A_108, %sign3A_111 : i32
    %ne3A = vector.broadcast %sign3A_112 : i32 to vector<1x64xi32>
    %ne3A_113 = arith.cmpi ne, %sign3A_105, %ne3A : vector<1x64xi32>
    %rem3A = vector.broadcast %jit3A_96 : i32 to vector<1x64xi32>
    %rem3A_114 = arith.remsi %add3A_95, %rem3A : vector<1x64xi32>
    %ne3A_115 = arith.constant 0 : i32
    %ne3A_116 = vector.broadcast %ne3A_115 : i32 to vector<1x64xi32>
    %ne3A_117 = arith.cmpi ne, %rem3A_114, %ne3A_116 : vector<1x64xi32>
    %and3A = arith.andi %ne3A_113, %ne3A_117 : vector<1x64xi1>
    %sub3A_118 = arith.constant 1 : i32
    %sub3A_119 = vector.broadcast %sub3A_118 : i32 to vector<1x64xi32>
    %sub3A_120 = arith.subi %div3A_97, %sub3A_119 : vector<1x64xi32>
    %select_n3A_121 = arith.select %and3A, %sub3A_120, %div3A_97 : vector<1x64xi1>, vector<1x64xi32>
    %mul3A = arith.constant 8 : i32
    %mul3A_122 = vector.broadcast %mul3A : i32 to vector<1x64xi32>
    %mul3A_123 = arith.muli %select_n3A_121, %mul3A_122 : vector<1x64xi32>
    %convert_element_type3A_124 = arith.sitofp %mul3A_123 : vector<1x64xi32> to vector<1x64xf32>
    %iota3A_125 = tpu.iota {dimensions = array<i32: 0>} : vector<64x64xi32>
    %iota3A_126 = tpu.iota {dimensions = array<i32: 1>} : vector<64x64xi32>
    %lt3A = arith.cmpi slt, %iota3A_125, %iota3A_126 : vector<64x64xi32>
    %convert_element_type3A_127 = arith.extui %lt3A : vector<64x64xi1> to vector<64x64xi32>
    %convert_element_type3A_128 = arith.sitofp %convert_element_type3A_127 : vector<64x64xi32> to vector<64x64xf32>
    %dot_general3A_129 = arith.constant dense<0.000000e+00> : vector<1x64xf32>
    %dot_general3A_130 = tpu.matmul %convert_element_type3A_124, %convert_element_type3A_128, %dot_general3A_129 {dimension_numbers = #tpu.dot_dimension_numbers<[1], [0], [0], [1], [0, 0, 1, 1], [], []>, transpose_lhs_hint = false} : vector<1x64xf32>, vector<64x64xf32>, vector<1x64xf32> -> vector<1x64xf32>
    %convert_element_type3A_131 = arith.extui %eq3A_21 : vector<64x2048xi1> to vector<64x2048xi32>
    %convert_element_type3A_132 = arith.sitofp %convert_element_type3A_131 : vector<64x2048xi32> to vector<64x2048xf32>
    %convert_element_type3A_133 = arith.extui %eq3A_37 : vector<64x2048xi1> to vector<64x2048xi32>
    %convert_element_type3A_134 = arith.sitofp %convert_element_type3A_133 : vector<64x2048xi32> to vector<64x2048xf32>
    %dot_general3A_135 = arith.constant dense<0.000000e+00> : vector<1x2048xf32>
    %dot_general3A_136 = tpu.matmul %dot_general3A_130, %convert_element_type3A_132, %dot_general3A_135 {dimension_numbers = #tpu.dot_dimension_numbers<[1], [0], [0], [1], [0, 0, 1, 1], [], []>, precision = #tpu.contract_precision<fp32>, transpose_lhs_hint = false} : vector<1x64xf32>, vector<64x2048xf32>, vector<1x2048xf32> -> vector<1x2048xf32>
    %dot_general3A_137 = arith.constant dense<0.000000e+00> : vector<1x2048xf32>
    %dot_general3A_138 = tpu.matmul %dot_general3A_130, %convert_element_type3A_134, %dot_general3A_137 {dimension_numbers = #tpu.dot_dimension_numbers<[1], [0], [0], [1], [0, 0, 1, 1], [], []>, precision = #tpu.contract_precision<fp32>, transpose_lhs_hint = false} : vector<1x64xf32>, vector<64x2048xf32>, vector<1x2048xf32> -> vector<1x2048xf32>
    %jit3A_139 = arith.constant 0.000000e+00 : f32
    %broadcast_in_dim3A_140 = vector.broadcast %jit3A_139 : f32 to vector<64x2048xf32>
    %select_n3A_141 = arith.select %eq3A_21, %sub3A_87, %broadcast_in_dim3A_140 : vector<64x2048xi1>, vector<64x2048xf32>
    %reduce_sum3A = arith.constant dense<0.000000e+00> : vector<2048xf32>
    %reduce_sum3A_142 = vector.multi_reduction <add>, %select_n3A_141, %reduce_sum3A [0] : vector<64x2048xf32> to vector<2048xf32>
    %broadcast_in_dim3A_143 = vector.shape_cast %reduce_sum3A_142 : vector<2048xf32> to vector<1x2048xf32>
    %jit3A_144 = arith.constant 0.000000e+00 : f32
    %broadcast_in_dim3A_145 = vector.broadcast %jit3A_144 : f32 to vector<64x2048xf32>
    %select_n3A_146 = arith.select %eq3A_37, %sub3A_87, %broadcast_in_dim3A_145 : vector<64x2048xi1>, vector<64x2048xf32>
    %reduce_sum3A_147 = arith.constant dense<0.000000e+00> : vector<2048xf32>
    %reduce_sum3A_148 = vector.multi_reduction <add>, %select_n3A_146, %reduce_sum3A_147 [0] : vector<64x2048xf32> to vector<2048xf32>
    %broadcast_in_dim3A_149 = vector.shape_cast %reduce_sum3A_148 : vector<2048xf32> to vector<1x2048xf32>
    %add3A_150 = arith.addf %dot_general3A_136, %broadcast_in_dim3A_143 : vector<1x2048xf32>
    %add3A_151 = arith.addf %dot_general3A_138, %broadcast_in_dim3A_149 : vector<1x2048xf32>
    %iota3A_152 = tpu.iota {dimensions = array<i32: 0>} : vector<8x2048xi32>
    %eq3A_153 = arith.constant 0 : i32
    %eq3A_154 = vector.broadcast %eq3A_153 : i32 to vector<8x2048xi32>
    %eq3A_155 = arith.cmpi eq, %iota3A_152, %eq3A_154 : vector<8x2048xi32>
    %eq3A_156 = arith.constant 1 : i32
    %eq3A_157 = vector.broadcast %eq3A_156 : i32 to vector<8x2048xi32>
    %eq3A_158 = arith.cmpi eq, %iota3A_152, %eq3A_157 : vector<8x2048xi32>
    %jit3A_159 = arith.constant 0.000000e+00 : f32
    %broadcast_in_dim3A_160 = vector.shape_cast %add3A_151 : vector<1x2048xf32> to vector<1x2048xf32>
    %broadcast_in_dim3A_161 = vector.broadcast %broadcast_in_dim3A_160 : vector<1x2048xf32> to vector<8x2048xf32>
    %broadcast_in_dim3A_162 = vector.broadcast %jit3A_159 : f32 to vector<8x2048xf32>
    %select_n3A_163 = arith.select %eq3A_158, %broadcast_in_dim3A_161, %broadcast_in_dim3A_162 : vector<8x2048xi1>, vector<8x2048xf32>
    %broadcast_in_dim3A_164 = vector.shape_cast %add3A_150 : vector<1x2048xf32> to vector<1x2048xf32>
    %broadcast_in_dim3A_165 = vector.broadcast %broadcast_in_dim3A_164 : vector<1x2048xf32> to vector<8x2048xf32>
    %select_n3A_166 = arith.select %eq3A_155, %broadcast_in_dim3A_165, %select_n3A_163 : vector<8x2048xi1>, vector<8x2048xf32>
    %convert_element_type3A_167 = arith.fptosi %select_n3A_166 : vector<8x2048xf32> to vector<8x2048xi32>
    %swap3A_168 = arith.constant 0 : index
    %swap3A_169 = arith.constant 0 : index
    %swap3A_170 = vector.load %arg3[%swap3A_168, %swap3A_169] : memref<8x2048xi32, #tpu.memory_space<vmem>>, vector<8x2048xi32>
    tpu.vector_store %arg3[%swap3A_168, %swap3A_169], %convert_element_type3A_167 {strides = array<i32>} : memref<8x2048xi32, #tpu.memory_space<vmem>>, vector<8x2048xi32>,
    %iota3A_171 = tpu.iota {dimensions = array<i32: 0>} : vector<8x64xi32>
    %eq3A_172 = arith.constant 0 : i32
    %eq3A_173 = vector.broadcast %eq3A_172 : i32 to vector<8x64xi32>
    %eq3A_174 = arith.cmpi eq, %iota3A_171, %eq3A_173 : vector<8x64xi32>
    %eq3A_175 = arith.constant 1 : i32
    %eq3A_176 = vector.broadcast %eq3A_175 : i32 to vector<8x64xi32>
    %eq3A_177 = arith.cmpi eq, %iota3A_171, %eq3A_176 : vector<8x64xi32>
    %jit3A_178 = arith.constant 0.000000e+00 : f32
    %broadcast_in_dim3A_179 = vector.shape_cast %dot_general3A_91 : vector<1x64xf32> to vector<1x64xf32>
    %broadcast_in_dim3A_180 = vector.broadcast %broadcast_in_dim3A_179 : vector<1x64xf32> to vector<8x64xf32>
    %broadcast_in_dim3A_181 = vector.broadcast %jit3A_178 : f32 to vector<8x64xf32>
    %select_n3A_182 = arith.select %eq3A_177, %broadcast_in_dim3A_180, %broadcast_in_dim3A_181 : vector<8x64xi1>, vector<8x64xf32>
    %broadcast_in_dim3A_183 = vector.shape_cast %dot_general3A_130 : vector<1x64xf32> to vector<1x64xf32>
    %broadcast_in_dim3A_184 = vector.broadcast %broadcast_in_dim3A_183 : vector<1x64xf32> to vector<8x64xf32>
    %select_n3A_185 = arith.select %eq3A_174, %broadcast_in_dim3A_184, %select_n3A_182 : vector<8x64xi1>, vector<8x64xf32>
    %convert_element_type3A_186 = arith.fptosi %select_n3A_185 : vector<8x64xf32> to vector<8x64xi32>
    %swap3A_187 = arith.constant 0 : index
    %swap3A_188 = arith.constant 0 : index
    %swap3A_189 = vector.load %arg4[%swap3A_187, %swap3A_188] : memref<8x64xi32, #tpu.memory_space<vmem>>, vector<8x64xi32>
    tpu.vector_store %arg4[%swap3A_187, %swap3A_188], %convert_element_type3A_186 {strides = array<i32>} : memref<8x64xi32, #tpu.memory_space<vmem>>, vector<8x64xi32>,
    %broadcast_in_dim3A_190 = arith.constant 1.000000e+00 : f32
    %broadcast_in_dim3A_191 = vector.broadcast %broadcast_in_dim3A_190 : f32 to vector<64x128xf32>
    %jit3A_192 = arith.constant 0.000000e+00 : f32
    %broadcast_in_dim3A_193 = vector.broadcast %jit3A_192 : f32 to vector<64x2048xf32>
    %select_n3A_194 = arith.select %eq3A_21, %logistic3A_10, %broadcast_in_dim3A_193 : vector<64x2048xi1>, vector<64x2048xf32>
    %dot_general3A_195 = arith.constant dense<0.000000e+00> : vector<2048x128xf32>
    %dot_general3A_196 = tpu.matmul %select_n3A_194, %broadcast_in_dim3A_191, %dot_general3A_195 {dimension_numbers = #tpu.dot_dimension_numbers<[0], [0], [1], [1], [0, 1, 1, 1], [], []>, transpose_lhs_hint = false} : vector<64x2048xf32>, vector<64x128xf32>, vector<2048x128xf32> -> vector<2048x128xf32>
    %jit3A_197 = arith.constant 0.000000e+00 : f32
    %broadcast_in_dim3A_198 = vector.broadcast %jit3A_197 : f32 to vector<64x2048xf32>
    %select_n3A_199 = arith.select %eq3A_37, %logistic3A_10, %broadcast_in_dim3A_198 : vector<64x2048xi1>, vector<64x2048xf32>
    %dot_general3A_200 = arith.constant dense<0.000000e+00> : vector<2048x128xf32>
    %dot_general3A_201 = tpu.matmul %select_n3A_199, %broadcast_in_dim3A_191, %dot_general3A_200 {dimension_numbers = #tpu.dot_dimension_numbers<[0], [0], [1], [1], [0, 1, 1, 1], [], []>, transpose_lhs_hint = false} : vector<64x2048xf32>, vector<64x128xf32>, vector<2048x128xf32> -> vector<2048x128xf32>
    %add3A_202 = arith.addf %dot_general3A_196, %dot_general3A_201 : vector<2048x128xf32>
    %div3A_203 = arith.divf %dot_general3A_196, %add3A_202 : vector<2048x128xf32>
    %swap3A_204 = arith.constant 0 : index
    %swap3A_205 = arith.constant 0 : index
    %swap3A_206 = vector.load %arg5[%swap3A_204, %swap3A_205] : memref<2048x256xf32, #tpu.memory_space<vmem>>, vector<2048x128xf32>
    tpu.vector_store %arg5[%swap3A_204, %swap3A_205], %div3A_203 {strides = array<i32>} : memref<2048x256xf32, #tpu.memory_space<vmem>>, vector<2048x128xf32>,
    %div3A_207 = arith.divf %dot_general3A_201, %add3A_202 : vector<2048x128xf32>
    %swap3A_208 = arith.constant 0 : index
    %swap3A_209 = arith.constant 128 : index
    %swap3A_210 = vector.load %arg5[%swap3A_208, %swap3A_209] : memref<2048x256xf32, #tpu.memory_space<vmem>>, vector<2048x128xf32>
    tpu.vector_store %arg5[%swap3A_208, %swap3A_209], %div3A_207 {strides = array<i32>} : memref<2048x256xf32, #tpu.memory_space<vmem>>, vector<2048x128xf32>,
    return
  }
}

module attributes {stable_mosaic.version = 14 : i64} {
  func.func @_ffn_body(%arg0: i32, %arg1: memref<8x64xi32, #tpu.memory_space<smem>>, %arg2: memref<4672x1024xbf16, #tpu.memory_space<vmem>>, %arg3: memref<1x512x1024xf32, #tpu.memory_space<vmem>>, %arg4: memref<1x512x1024xf32, #tpu.memory_space<vmem>>, %arg5: memref<1x1024x512xf32, #tpu.memory_space<vmem>>, %arg6: memref<1x1024x512xf32, #tpu.memory_space<vmem>>, %arg7: memref<1x512x1024xf32, #tpu.memory_space<vmem>>, %arg8: memref<1x512x1024xf32, #tpu.memory_space<vmem>>, %arg9: memref<4672x1024xbf16, #tpu.memory_space<vmem>>) attributes {dimension_semantics = [#tpu.dimension_semantics<arbitrary>], iteration_bounds = array<i64: 64>, scalar_prefetch = 0 : i64, scratch_operands = 0 : i64, tpu.core_type = #tpu.core_type<tc>, window_params = [{transform_indices = @transform_0, window_bounds = array<i64: 8, 64>}, {pipeline_mode = #tpu.pipeline_mode<synchronous>, transform_indices = @transform_1, window_bounds = array<i64: 4672, 1024>}, {transform_indices = @transform_2, window_bounds = array<i64: 1, 512, 1024>}, {transform_indices = @transform_3, window_bounds = array<i64: 1, 512, 1024>}, {transform_indices = @transform_4, window_bounds = array<i64: 1, 1024, 512>}, {transform_indices = @transform_5, window_bounds = array<i64: 1, 1024, 512>}, {transform_indices = @transform_6, window_bounds = array<i64: 1, 512, 1024>}, {transform_indices = @transform_7, window_bounds = array<i64: 1, 512, 1024>}, {pipeline_mode = #tpu.pipeline_mode<synchronous>, transform_indices = @transform_8, window_bounds = array<i64: 4672, 1024>}]} {
    %get3A = arith.constant 0 : index
    %get3A_0 = arith.index_cast %arg0 : i32 to index
    %get3A_1 = memref.load %arg1[%get3A, %get3A_0] : memref<8x64xi32, #tpu.memory_space<smem>>
    %get3A_2 = arith.constant 1 : index
    %get3A_3 = arith.index_cast %arg0 : i32 to index
    %get3A_4 = memref.load %arg1[%get3A_2, %get3A_3] : memref<8x64xi32, #tpu.memory_space<smem>>
    %add3A = arith.constant 128 : i32
    %add3A_5 = arith.addi %get3A_4, %add3A : i32
    %sub3A = arith.constant 1 : i32
    %sub3A_6 = arith.subi %add3A_5, %sub3A : i32
    %jit3A = arith.constant 128 : i32
    %div3A = arith.divsi %sub3A_6, %jit3A : i32
    %sign3A = arith.constant 0 : i32
    %sign3A_7 = arith.cmpi sgt, %sub3A_6, %sign3A : i32
    %sign3A_8 = arith.extui %sign3A_7 : i1 to i32
    %sign3A_9 = arith.constant 0 : i32
    %sign3A_10 = arith.cmpi slt, %sub3A_6, %sign3A_9 : i32
    %sign3A_11 = arith.extui %sign3A_10 : i1 to i32
    %sign3A_12 = arith.subi %sign3A_8, %sign3A_11 : i32
    %sign3A_13 = arith.constant 0 : i32
    %sign3A_14 = arith.cmpi sgt, %jit3A, %sign3A_13 : i32
    %sign3A_15 = arith.extui %sign3A_14 : i1 to i32
    %sign3A_16 = arith.constant 0 : i32
    %sign3A_17 = arith.cmpi slt, %jit3A, %sign3A_16 : i32
    %sign3A_18 = arith.extui %sign3A_17 : i1 to i32
    %sign3A_19 = arith.subi %sign3A_15, %sign3A_18 : i32
    %ne3A = arith.cmpi ne, %sign3A_12, %sign3A_19 : i32
    %rem3A = arith.remsi %sub3A_6, %jit3A : i32
    %ne3A_20 = arith.constant 0 : i32
    %ne3A_21 = arith.cmpi ne, %rem3A, %ne3A_20 : i32
    %and3A = arith.andi %ne3A, %ne3A_21 : i1
    %sub3A_22 = arith.constant 1 : i32
    %sub3A_23 = arith.subi %div3A, %sub3A_22 : i32
    %select_n3A = arith.select %and3A, %sub3A_23, %div3A : i32
    %while3A = arith.constant 0 : i32
    %while3A_24 = arith.constant 0 : i32
    %while3A_25 = arith.subi %select_n3A, %while3A_24 : i32
    %while3A_26 = arith.addi %while3A_24, %while3A_25 : i32
    %while3A_27 = arith.constant 1 : i32
    %while3A_28 = arith.divsi %while3A_25, %while3A_27 : i32
    %while3A_29 = arith.muli %while3A_28, %while3A_27 : i32
    %while3A_30 = arith.addi %while3A_24, %while3A_29 : i32
    %while3A_31 = arith.constant 1 : i32
    scf.for %while3A_33 = %while3A_24 to %while3A_30 step %while3A_31  : i32 {
      %mul3A = arith.constant 128 : i32
      %mul3A_34 = arith.muli %while3A_33, %mul3A : i32
      %add3A_35 = arith.addi %get3A_1, %mul3A_34 : i32
      %multiple_of3A = tpu.assume_multiple %add3A_35, 8 : i32
      %get3A_36 = arith.index_cast %multiple_of3A : i32 to index
      %get3A_37 = arith.constant 0 : index
      %get3A_38 = vector.load %arg2[%get3A_36, %get3A_37] : memref<4672x1024xbf16, #tpu.memory_space<vmem>>, vector<128x1024xbf16>
      %convert_element_type3A = arith.extf %get3A_38 : vector<128x1024xbf16> to vector<128x1024xf32>
      %get3A_39 = arith.constant 0 : index
      %get3A_40 = arith.constant 0 : index
      %get3A_41 = arith.constant 0 : index
      %get3A_42 = vector.load %arg3[%get3A_39, %get3A_40, %get3A_41] : memref<1x512x1024xf32, #tpu.memory_space<vmem>>, vector<1x512x1024xf32>
      %get3A_43 = vector.shape_cast %get3A_42 : vector<1x512x1024xf32> to vector<512x1024xf32>
      %dot_general3A = arith.constant dense<0.000000e+00> : vector<128x512xf32>
      %dot_general3A_44 = tpu.matmul %convert_element_type3A, %get3A_43, %dot_general3A {dimension_numbers = #tpu.dot_dimension_numbers<[1], [1], [0], [0], [0, 0, 1, 0], [], []>, transpose_lhs_hint = false} : vector<128x1024xf32>, vector<512x1024xf32>, vector<128x512xf32> -> vector<128x512xf32>
      %get3A_45 = arith.constant 0 : index
      %get3A_46 = arith.constant 0 : index
      %get3A_47 = arith.constant 0 : index
      %get3A_48 = vector.load %arg4[%get3A_45, %get3A_46, %get3A_47] : memref<1x512x1024xf32, #tpu.memory_space<vmem>>, vector<1x512x1024xf32>
      %get3A_49 = vector.shape_cast %get3A_48 : vector<1x512x1024xf32> to vector<512x1024xf32>
      %dot_general3A_50 = arith.constant dense<0.000000e+00> : vector<128x512xf32>
      %dot_general3A_51 = tpu.matmul %convert_element_type3A, %get3A_49, %dot_general3A_50 {dimension_numbers = #tpu.dot_dimension_numbers<[1], [1], [0], [0], [0, 0, 1, 0], [], []>, transpose_lhs_hint = false} : vector<128x1024xf32>, vector<512x1024xf32>, vector<128x512xf32> -> vector<128x512xf32>
      %concatenate3A = tpu.concatenate %dot_general3A_44, %dot_general3A_51 in 1 : vector<128x512xf32>, vector<128x512xf32> -> vector<128x1024xf32>
      %get3A_52 = arith.constant 0 : index
      %get3A_53 = arith.constant 0 : index
      %get3A_54 = arith.constant 0 : index
      %get3A_55 = vector.load %arg7[%get3A_52, %get3A_53, %get3A_54] : memref<1x512x1024xf32, #tpu.memory_space<vmem>>, vector<1x512x1024xf32>
      %get3A_56 = vector.shape_cast %get3A_55 : vector<1x512x1024xf32> to vector<512x1024xf32>
      %dot_general3A_57 = arith.constant dense<0.000000e+00> : vector<128x512xf32>
      %dot_general3A_58 = tpu.matmul %convert_element_type3A, %get3A_56, %dot_general3A_57 {dimension_numbers = #tpu.dot_dimension_numbers<[1], [1], [0], [0], [0, 0, 1, 0], [], []>, transpose_lhs_hint = false} : vector<128x1024xf32>, vector<512x1024xf32>, vector<128x512xf32> -> vector<128x512xf32>
      %get3A_59 = arith.constant 0 : index
      %get3A_60 = arith.constant 0 : index
      %get3A_61 = arith.constant 0 : index
      %get3A_62 = vector.load %arg8[%get3A_59, %get3A_60, %get3A_61] : memref<1x512x1024xf32, #tpu.memory_space<vmem>>, vector<1x512x1024xf32>
      %get3A_63 = vector.shape_cast %get3A_62 : vector<1x512x1024xf32> to vector<512x1024xf32>
      %dot_general3A_64 = arith.constant dense<0.000000e+00> : vector<128x512xf32>
      %dot_general3A_65 = tpu.matmul %convert_element_type3A, %get3A_63, %dot_general3A_64 {dimension_numbers = #tpu.dot_dimension_numbers<[1], [1], [0], [0], [0, 0, 1, 0], [], []>, transpose_lhs_hint = false} : vector<128x1024xf32>, vector<512x1024xf32>, vector<128x512xf32> -> vector<128x512xf32>
      %concatenate3A_66 = tpu.concatenate %dot_general3A_58, %dot_general3A_65 in 1 : vector<128x512xf32>, vector<128x512xf32> -> vector<128x1024xf32>
      %logistic3A = arith.negf %concatenate3A : vector<128x1024xf32>
      %logistic3A_67 = math.exp %logistic3A : vector<128x1024xf32>
      %logistic3A_68 = arith.constant 1.000000e+00 : f32
      %logistic3A_69 = vector.broadcast %logistic3A_68 : f32 to vector<128x1024xf32>
      %logistic3A_70 = arith.addf %logistic3A_69, %logistic3A_67 : vector<128x1024xf32>
      %logistic3A_71 = arith.divf %logistic3A_69, %logistic3A_70 : vector<128x1024xf32>
      %mul3A_72 = arith.mulf %concatenate3A, %logistic3A_71 : vector<128x1024xf32>
      %mul3A_73 = arith.mulf %mul3A_72, %concatenate3A_66 : vector<128x1024xf32>
      %slice3A = vector.extract_strided_slice %mul3A_73 {offsets = [0, 0], sizes = [128, 512], strides = [1, 1]} : vector<128x1024xf32> to vector<128x512xf32>
      %get3A_74 = arith.constant 0 : index
      %get3A_75 = arith.constant 0 : index
      %get3A_76 = arith.constant 0 : index
      %get3A_77 = vector.load %arg5[%get3A_74, %get3A_75, %get3A_76] : memref<1x1024x512xf32, #tpu.memory_space<vmem>>, vector<1x1024x512xf32>
      %get3A_78 = vector.shape_cast %get3A_77 : vector<1x1024x512xf32> to vector<1024x512xf32>
      %dot_general3A_79 = arith.constant dense<0.000000e+00> : vector<128x1024xf32>
      %dot_general3A_80 = tpu.matmul %slice3A, %get3A_78, %dot_general3A_79 {dimension_numbers = #tpu.dot_dimension_numbers<[1], [1], [0], [0], [0, 0, 1, 0], [], []>, transpose_lhs_hint = false} : vector<128x512xf32>, vector<1024x512xf32>, vector<128x1024xf32> -> vector<128x1024xf32>
      %slice3A_81 = vector.extract_strided_slice %mul3A_73 {offsets = [0, 512], sizes = [128, 512], strides = [1, 1]} : vector<128x1024xf32> to vector<128x512xf32>
      %get3A_82 = arith.constant 0 : index
      %get3A_83 = arith.constant 0 : index
      %get3A_84 = arith.constant 0 : index
      %get3A_85 = vector.load %arg6[%get3A_82, %get3A_83, %get3A_84] : memref<1x1024x512xf32, #tpu.memory_space<vmem>>, vector<1x1024x512xf32>
      %get3A_86 = vector.shape_cast %get3A_85 : vector<1x1024x512xf32> to vector<1024x512xf32>
      %dot_general3A_87 = arith.constant dense<0.000000e+00> : vector<128x1024xf32>
      %dot_general3A_88 = tpu.matmul %slice3A_81, %get3A_86, %dot_general3A_87 {dimension_numbers = #tpu.dot_dimension_numbers<[1], [1], [0], [0], [0, 0, 1, 0], [], []>, transpose_lhs_hint = false} : vector<128x512xf32>, vector<1024x512xf32>, vector<128x1024xf32> -> vector<128x1024xf32>
      %add3A_89 = arith.addf %dot_general3A_80, %dot_general3A_88 : vector<128x1024xf32>
      %convert_element_type3A_90 = arith.truncf %add3A_89 : vector<128x1024xf32> to vector<128x1024xbf16>
      %swap3A = arith.index_cast %multiple_of3A : i32 to index
      %swap3A_91 = arith.constant 0 : index
      %swap3A_92 = vector.load %arg9[%swap3A, %swap3A_91] : memref<4672x1024xbf16, #tpu.memory_space<vmem>>, vector<128x1024xbf16>
      tpu.vector_store %arg9[%swap3A, %swap3A_91], %convert_element_type3A_90 {strides = array<i32>} : memref<4672x1024xbf16, #tpu.memory_space<vmem>>, vector<128x1024xbf16>,
    }
    %while3A_32 = arith.constant 1 : i32
    scf.for %while3A_33 = %while3A_30 to %while3A_26 step %while3A_32  : i32 {
      %mul3A = arith.constant 128 : i32
      %mul3A_34 = arith.muli %while3A_33, %mul3A : i32
      %add3A_35 = arith.addi %get3A_1, %mul3A_34 : i32
      %multiple_of3A = tpu.assume_multiple %add3A_35, 8 : i32
      %get3A_36 = arith.index_cast %multiple_of3A : i32 to index
      %get3A_37 = arith.constant 0 : index
      %get3A_38 = vector.load %arg2[%get3A_36, %get3A_37] : memref<4672x1024xbf16, #tpu.memory_space<vmem>>, vector<128x1024xbf16>
      %convert_element_type3A = arith.extf %get3A_38 : vector<128x1024xbf16> to vector<128x1024xf32>
      %get3A_39 = arith.constant 0 : index
      %get3A_40 = arith.constant 0 : index
      %get3A_41 = arith.constant 0 : index
      %get3A_42 = vector.load %arg3[%get3A_39, %get3A_40, %get3A_41] : memref<1x512x1024xf32, #tpu.memory_space<vmem>>, vector<1x512x1024xf32>
      %get3A_43 = vector.shape_cast %get3A_42 : vector<1x512x1024xf32> to vector<512x1024xf32>
      %dot_general3A = arith.constant dense<0.000000e+00> : vector<128x512xf32>
      %dot_general3A_44 = tpu.matmul %convert_element_type3A, %get3A_43, %dot_general3A {dimension_numbers = #tpu.dot_dimension_numbers<[1], [1], [0], [0], [0, 0, 1, 0], [], []>, transpose_lhs_hint = false} : vector<128x1024xf32>, vector<512x1024xf32>, vector<128x512xf32> -> vector<128x512xf32>
      %get3A_45 = arith.constant 0 : index
      %get3A_46 = arith.constant 0 : index
      %get3A_47 = arith.constant 0 : index
      %get3A_48 = vector.load %arg4[%get3A_45, %get3A_46, %get3A_47] : memref<1x512x1024xf32, #tpu.memory_space<vmem>>, vector<1x512x1024xf32>
      %get3A_49 = vector.shape_cast %get3A_48 : vector<1x512x1024xf32> to vector<512x1024xf32>
      %dot_general3A_50 = arith.constant dense<0.000000e+00> : vector<128x512xf32>
      %dot_general3A_51 = tpu.matmul %convert_element_type3A, %get3A_49, %dot_general3A_50 {dimension_numbers = #tpu.dot_dimension_numbers<[1], [1], [0], [0], [0, 0, 1, 0], [], []>, transpose_lhs_hint = false} : vector<128x1024xf32>, vector<512x1024xf32>, vector<128x512xf32> -> vector<128x512xf32>
      %concatenate3A = tpu.concatenate %dot_general3A_44, %dot_general3A_51 in 1 : vector<128x512xf32>, vector<128x512xf32> -> vector<128x1024xf32>
      %get3A_52 = arith.constant 0 : index
      %get3A_53 = arith.constant 0 : index
      %get3A_54 = arith.constant 0 : index
      %get3A_55 = vector.load %arg7[%get3A_52, %get3A_53, %get3A_54] : memref<1x512x1024xf32, #tpu.memory_space<vmem>>, vector<1x512x1024xf32>
      %get3A_56 = vector.shape_cast %get3A_55 : vector<1x512x1024xf32> to vector<512x1024xf32>
      %dot_general3A_57 = arith.constant dense<0.000000e+00> : vector<128x512xf32>
      %dot_general3A_58 = tpu.matmul %convert_element_type3A, %get3A_56, %dot_general3A_57 {dimension_numbers = #tpu.dot_dimension_numbers<[1], [1], [0], [0], [0, 0, 1, 0], [], []>, transpose_lhs_hint = false} : vector<128x1024xf32>, vector<512x1024xf32>, vector<128x512xf32> -> vector<128x512xf32>
      %get3A_59 = arith.constant 0 : index
      %get3A_60 = arith.constant 0 : index
      %get3A_61 = arith.constant 0 : index
      %get3A_62 = vector.load %arg8[%get3A_59, %get3A_60, %get3A_61] : memref<1x512x1024xf32, #tpu.memory_space<vmem>>, vector<1x512x1024xf32>
      %get3A_63 = vector.shape_cast %get3A_62 : vector<1x512x1024xf32> to vector<512x1024xf32>
      %dot_general3A_64 = arith.constant dense<0.000000e+00> : vector<128x512xf32>
      %dot_general3A_65 = tpu.matmul %convert_element_type3A, %get3A_63, %dot_general3A_64 {dimension_numbers = #tpu.dot_dimension_numbers<[1], [1], [0], [0], [0, 0, 1, 0], [], []>, transpose_lhs_hint = false} : vector<128x1024xf32>, vector<512x1024xf32>, vector<128x512xf32> -> vector<128x512xf32>
      %concatenate3A_66 = tpu.concatenate %dot_general3A_58, %dot_general3A_65 in 1 : vector<128x512xf32>, vector<128x512xf32> -> vector<128x1024xf32>
      %logistic3A = arith.negf %concatenate3A : vector<128x1024xf32>
      %logistic3A_67 = math.exp %logistic3A : vector<128x1024xf32>
      %logistic3A_68 = arith.constant 1.000000e+00 : f32
      %logistic3A_69 = vector.broadcast %logistic3A_68 : f32 to vector<128x1024xf32>
      %logistic3A_70 = arith.addf %logistic3A_69, %logistic3A_67 : vector<128x1024xf32>
      %logistic3A_71 = arith.divf %logistic3A_69, %logistic3A_70 : vector<128x1024xf32>
      %mul3A_72 = arith.mulf %concatenate3A, %logistic3A_71 : vector<128x1024xf32>
      %mul3A_73 = arith.mulf %mul3A_72, %concatenate3A_66 : vector<128x1024xf32>
      %slice3A = vector.extract_strided_slice %mul3A_73 {offsets = [0, 0], sizes = [128, 512], strides = [1, 1]} : vector<128x1024xf32> to vector<128x512xf32>
      %get3A_74 = arith.constant 0 : index
      %get3A_75 = arith.constant 0 : index
      %get3A_76 = arith.constant 0 : index
      %get3A_77 = vector.load %arg5[%get3A_74, %get3A_75, %get3A_76] : memref<1x1024x512xf32, #tpu.memory_space<vmem>>, vector<1x1024x512xf32>
      %get3A_78 = vector.shape_cast %get3A_77 : vector<1x1024x512xf32> to vector<1024x512xf32>
      %dot_general3A_79 = arith.constant dense<0.000000e+00> : vector<128x1024xf32>
      %dot_general3A_80 = tpu.matmul %slice3A, %get3A_78, %dot_general3A_79 {dimension_numbers = #tpu.dot_dimension_numbers<[1], [1], [0], [0], [0, 0, 1, 0], [], []>, transpose_lhs_hint = false} : vector<128x512xf32>, vector<1024x512xf32>, vector<128x1024xf32> -> vector<128x1024xf32>
      %slice3A_81 = vector.extract_strided_slice %mul3A_73 {offsets = [0, 512], sizes = [128, 512], strides = [1, 1]} : vector<128x1024xf32> to vector<128x512xf32>
      %get3A_82 = arith.constant 0 : index
      %get3A_83 = arith.constant 0 : index
      %get3A_84 = arith.constant 0 : index
      %get3A_85 = vector.load %arg6[%get3A_82, %get3A_83, %get3A_84] : memref<1x1024x512xf32, #tpu.memory_space<vmem>>, vector<1x1024x512xf32>
      %get3A_86 = vector.shape_cast %get3A_85 : vector<1x1024x512xf32> to vector<1024x512xf32>
      %dot_general3A_87 = arith.constant dense<0.000000e+00> : vector<128x1024xf32>
      %dot_general3A_88 = tpu.matmul %slice3A_81, %get3A_86, %dot_general3A_87 {dimension_numbers = #tpu.dot_dimension_numbers<[1], [1], [0], [0], [0, 0, 1, 0], [], []>, transpose_lhs_hint = false} : vector<128x512xf32>, vector<1024x512xf32>, vector<128x1024xf32> -> vector<128x1024xf32>
      %add3A_89 = arith.addf %dot_general3A_80, %dot_general3A_88 : vector<128x1024xf32>
      %convert_element_type3A_90 = arith.truncf %add3A_89 : vector<128x1024xf32> to vector<128x1024xbf16>
      %swap3A = arith.index_cast %multiple_of3A : i32 to index
      %swap3A_91 = arith.constant 0 : index
      %swap3A_92 = vector.load %arg9[%swap3A, %swap3A_91] : memref<4672x1024xbf16, #tpu.memory_space<vmem>>, vector<128x1024xbf16>
      tpu.vector_store %arg9[%swap3A, %swap3A_91], %convert_element_type3A_90 {strides = array<i32>} : memref<4672x1024xbf16, #tpu.memory_space<vmem>>, vector<128x1024xbf16>,
    }
    return
  }
  func.func @transform_0(%arg0: i32) -> (i32, i32) {
    %c0_i32 = arith.constant 0 : i32
    %c0_i32_0 = arith.constant 0 : i32
    %c0_i32_1 = arith.constant 0 : i32
    return %c0_i32, %c0_i32_0 : i32, i32
  }
  func.func @transform_1(%arg0: i32) -> (i32, i32) {
    %c0_i32 = arith.constant 0 : i32
    %c0_i32_0 = arith.constant 0 : i32
    %c0_i32_1 = arith.constant 0 : i32
    return %c0_i32, %c0_i32_0 : i32, i32
  }
  func.func @transform_2(%arg0: i32) -> (i32, i32, i32) {
    %c0_i32 = arith.constant 0 : i32
    %c0_i32_0 = arith.constant 0 : i32
    %c0_i32_1 = arith.constant 0 : i32
    return %arg0, %c0_i32, %c0_i32_0 : i32, i32, i32
  }
  func.func @transform_3(%arg0: i32) -> (i32, i32, i32) {
    %c1_i32 = arith.constant 1 : i32
    %c0_i32 = arith.constant 0 : i32
    %c0_i32_0 = arith.constant 0 : i32
    return %arg0, %c1_i32, %c0_i32 : i32, i32, i32
  }
  func.func @transform_4(%arg0: i32) -> (i32, i32, i32) {
    %c0_i32 = arith.constant 0 : i32
    %c0_i32_0 = arith.constant 0 : i32
    %c0_i32_1 = arith.constant 0 : i32
    return %arg0, %c0_i32, %c0_i32_0 : i32, i32, i32
  }
  func.func @transform_5(%arg0: i32) -> (i32, i32, i32) {
    %c0_i32 = arith.constant 0 : i32
    %c1_i32 = arith.constant 1 : i32
    %c0_i32_0 = arith.constant 0 : i32
    return %arg0, %c0_i32, %c1_i32 : i32, i32, i32
  }
  func.func @transform_6(%arg0: i32) -> (i32, i32, i32) {
    %c0_i32 = arith.constant 0 : i32
    %c0_i32_0 = arith.constant 0 : i32
    %c0_i32_1 = arith.constant 0 : i32
    return %arg0, %c0_i32, %c0_i32_0 : i32, i32, i32
  }
  func.func @transform_7(%arg0: i32) -> (i32, i32, i32) {
    %c1_i32 = arith.constant 1 : i32
    %c0_i32 = arith.constant 0 : i32
    %c0_i32_0 = arith.constant 0 : i32
    return %arg0, %c1_i32, %c0_i32 : i32, i32, i32
  }
  func.func @transform_8(%arg0: i32) -> (i32, i32) {
    %c0_i32 = arith.constant 0 : i32
    %c0_i32_0 = arith.constant 0 : i32
    %c0_i32_1 = arith.constant 0 : i32
    return %c0_i32, %c0_i32_0 : i32, i32
  }
}

module attributes {stable_mosaic.version = 14 : i64} {
  func.func @_combine_body(%arg0: memref<2048x1024xbf16, #tpu.memory_space<vmem>>, %arg1: memref<2048x1024xbf16, #tpu.memory_space<vmem>>, %arg2: memref<2048x256xf32, #tpu.memory_space<vmem>>, %arg3: memref<2048x1024xf32, #tpu.memory_space<vmem>>) attributes {dimension_semantics = [], scalar_prefetch = 0 : i64, scratch_operands = 0 : i64, tpu.core_type = #tpu.core_type<tc>} {
    %get3A = arith.constant 0 : index
    %get3A_0 = arith.constant 0 : index
    %get3A_1 = vector.load %arg2[%get3A, %get3A_0] : memref<2048x256xf32, #tpu.memory_space<vmem>>, vector<2048x1xf32>
    %get3A_2 = arith.constant 0 : index
    %get3A_3 = arith.constant 128 : index
    %get3A_4 = vector.load %arg2[%get3A_2, %get3A_3] : memref<2048x256xf32, #tpu.memory_space<vmem>>, vector<2048x1xf32>
    %get3A_5 = arith.constant 0 : index
    %get3A_6 = arith.constant 0 : index
    %get3A_7 = vector.load %arg0[%get3A_5, %get3A_6] : memref<2048x1024xbf16, #tpu.memory_space<vmem>>, vector<2048x1024xbf16>
    %convert_element_type3A = arith.extf %get3A_7 : vector<2048x1024xbf16> to vector<2048x1024xf32>
    %get3A_8 = arith.constant 0 : index
    %get3A_9 = arith.constant 0 : index
    %get3A_10 = vector.load %arg1[%get3A_8, %get3A_9] : memref<2048x1024xbf16, #tpu.memory_space<vmem>>, vector<2048x1024xbf16>
    %convert_element_type3A_11 = arith.extf %get3A_10 : vector<2048x1024xbf16> to vector<2048x1024xf32>
    %mul3A = vector.broadcast %get3A_1 : vector<2048x1xf32> to vector<2048x1024xf32>
    %mul3A_12 = arith.mulf %convert_element_type3A, %mul3A : vector<2048x1024xf32>
    %mul3A_13 = vector.broadcast %get3A_4 : vector<2048x1xf32> to vector<2048x1024xf32>
    %mul3A_14 = arith.mulf %convert_element_type3A_11, %mul3A_13 : vector<2048x1024xf32>
    %add3A = arith.addf %mul3A_12, %mul3A_14 : vector<2048x1024xf32>
    %swap3A = arith.constant 0 : index
    %swap3A_15 = arith.constant 0 : index
    %swap3A_16 = vector.load %arg3[%swap3A, %swap3A_15] : memref<2048x1024xf32, #tpu.memory_space<vmem>>, vector<2048x1024xf32>
    tpu.vector_store %arg3[%swap3A, %swap3A_15], %add3A {strides = array<i32>} : memref<2048x1024xf32, #tpu.memory_space<vmem>>, vector<2048x1024xf32>,
    return
  }
}

</mosaic_0001>

<sc_bundles>
// kernel: kernel.10.cloned.1.call-start
scs
__scs_entry_jumppad:
0x0: {  	(pc) =	sbr.rel $0x88, $3  }
0x1: {  	(tag) =	ssettag $0x0;
	lr =	simm.s32 $0x1  }
0x2: {  	[smem:$0x3F9B] =	sst lr;
	_ =	strace $0xD0000000  }
0x3: {  	_ = 	snop  }
0x4: {  	_ = 	snop  }
0x5: {  	_ = 	snop  }
0x6: {  	_ = 	snop  }
0x7: {  	_ = 	snop  }
__scs_overlays_trampoline_lowered:
0x8: {  	[smem:$0x3FAA] =	sst s0  }
0x9: {  	[smem:$0x3FAB] =	sst s1  }
0xa: {  	[smem:$0x3FAC] =	sst s2  }
0xb: {  	[smem:$0x3FAD] =	sst s3  }
0xc: {  	[smem:$0x3FAE] =	sst s4  }
0xd: {  	[smem:$0x3FAF] =	sst s5  }
0xe: {  	[smem:$0x3FB0] =	sst s6  }
0xf: {  	[smem:$0x3FB1] =	sst s7  }
0x10: {  	[smem:$0x3FB2] =	sst s8  }
0x11: {  	[smem:$0x3FB3] =	sst s9;
	s0 =	simm.s32 @!p0 $0x0  }
0x12: {  	s1 =	sld [smem:$0x3F99];
	s0 =	simm.s32 @p0 $0x1  }
0x13: {  	[smem:$0x3FB4] =	sst s0;
	s0 =	simm.s32 @!p1 $0x0  }
0x14: {  	s2 =	sld [smem:$0x3F98];
	s0 =	simm.s32 @p1 $0x1  }
0x15: {  	[smem:$0x3FB5] =	sst s0;
	s0 =	simm.s32 @!p2 $0x0  }
0x16: {  	s3 =	sld [smem:$0x3FDB];
	s0 =	simm.s32 @p2 $0x1  }
0x17: {  	s4 =	simm.s32 $0x1BF5;
	[smem:$0x3FB7] =	sst s0  }
0x18: {  	s0 =	sld [smem:$0x3F9A];
	_ =	swait.ge [sflag:s4], $0x0  }
0x19: {  	s7 =	sld [smem:$0x3F9B]  }
0x1a: {  	s8 =	sadd.s32 $0xFFFFE003, lr  }
0x1b: {  	s9 =	sadd.s32 $0xFFFFFEF7, lr;
	s5 =	simm.s32 $0xFFFFFFFF;
	p2 =	slt.u32 s8, $0xFFFFF086  }
0x1c: {  	p1 =	slt.u32 s9, $0xF7A;
	s5 =	simm.s32 @!p2 $0x0  }
0x1d: {  	s5 =	simm.s32 @p1 $0x1;
	p0 =	seq.s32 s7, s2  }
0x1e: {  	s7 =	smul.u32 @!p0 $0xF7A, s2;
	p2 =	seq.s32 @!p0 s5, $0x0  }
0x1f: {  	s9 =	smul.u32 $0xF7A, s1;
	s8 =	simm.s32 @!p0 $0x1BF5;
	p2 =	por !p2, p0  }
0x20: {  	[sflag:s8] =	ssyncset.s32 @!p0 $0xFFFFF086;
	s6 =	sadd.s32 @!p0 s3, s7;
	s7 =	simm.s32 @!p0 $0x108  }
0x21: {  	s3 =	sadd.s32 s3, s9;
	s6 =	sadd.s32 @!p0 $0x88, s6;
	s7 =	simm.s32 @p2 $0x1082  }
0x22: {  	[simem:s7], [sflag:s8] =	dma.local @!p0 [hbm:s6], $0xF7A  }
0x23: {  	s9 =	sor.u32 $0xD0000000, s2;
	s6 =	simm.s32 $0x108;
	_ =	swait.ge @!p0 [sflag:s8], $0x0  }
0x24: {  	s3 =	sadd.s32 $0x88, s3;
	s6 =	simm.s32 @!p1 $0x1082;
	[sflag:s4] =	ssyncset.s32 $0xFFFFF086  }
0x25: {  	[simem:s6], [sflag:s4] =	dma.local [hbm:s3], $0xF7A  }
0x26: {  	[smem:$0x3F9B] =	sst s1;
	(tag) =	ssettag s2;
	_ =	strace s9  }
0x27: {  	s1 =	sld [smem:$0x3FAB]  }
0x28: {  	s2 =	sld [smem:$0x3FAC]  }
0x29: {  	s4 =	sld [smem:$0x3FAE]  }
0x2a: {  	p0 =	seq.s32 s5, $0x0;
	s5 =	sld [smem:$0x3FAF]  }
0x2b: {  	s6 =	sld [smem:$0x3FB0]  }
0x2c: {  	s7 =	sld [smem:$0x3FB1]  }
0x2d: {  	s3 =	simm.s32 $0x108;
	s8 =	sld [smem:$0x3FB2]  }
0x2e: {  	s3 =	simm.s32 @!p0 $0x1082;
	s9 =	sld [smem:$0x3FB3]  }
0x2f: {  	lr =	sadd.s32 s0, s3;
	s0 =	sld [smem:$0x3FAA]  }
0x30: {  	s3 =	sld [smem:$0x3FAD]  }
0x31: {  	[smem:$0x3FB6] =	sst s10  }
0x32: {  	s10 =	sld [smem:$0x3FB4];
	_ =	sdelay $0x3  }
0x33: {  	p0 =	seq.s32 s10, $0x1;
	s10 =	sld [smem:$0x3FB6];
	_ =	sdelay $0x3  }
0x34: {  	[smem:$0x3FB6] =	sst s10  }
0x35: {  	s10 =	sld [smem:$0x3FB5];
	_ =	sdelay $0x3  }
0x36: {  	p1 =	seq.s32 s10, $0x1;
	s10 =	sld [smem:$0x3FB6];
	_ =	sdelay $0x3  }
0x37: {  	[smem:$0x3FB6] =	sst s10  }
0x38: {  	s10 =	sld [smem:$0x3FB7]  }
0x39: {  	_ = 	snop;
	(pc) =	sbr.ind lr, $3  }
0x3a: {  	_ = 	snop  }
0x3b: {  	_ = 	snop  }
0x3c: {  	p2 =	seq.s32 s10, $0x1;
	s10 =	sld [smem:$0x3FB6]  }
0x3d: {  	_ =	shalt  }
0x3e: {  	_ =	shalt  }
0x3f: {  	_ =	shalt  }
0x40: {  	_ =	shalt  }
0x41: {  	_ =	shalt  }
0x42: {  	_ =	shalt  }
0x43: {  	_ =	shalt  }
0x44: {  	_ =	shalt  }
0x45: {  	_ =	shalt  }
0x46: {  	_ =	shalt  }
0x47: {  	_ =	shalt  }
0x48: {  	_ =	shalt  }
0x49: {  	_ =	shalt  }
0x4a: {  	_ =	shalt  }
0x4b: {  	_ =	shalt  }
0x4c: {  	_ =	shalt  }
0x4d: {  	_ =	shalt  }
0x4e: {  	_ =	shalt  }
0x4f: {  	_ =	shalt  }
0x50: {  	_ =	shalt  }
0x51: {  	_ =	shalt  }
0x52: {  	_ =	shalt  }
0x53: {  	_ =	shalt  }
0x54: {  	_ =	shalt  }
0x55: {  	_ =	shalt  }
0x56: {  	_ =	shalt  }
0x57: {  	_ =	shalt  }
0x58: {  	_ =	shalt  }
0x59: {  	_ =	shalt  }
0x5a: {  	_ =	shalt  }
0x5b: {  	_ =	shalt  }
0x5c: {  	_ =	shalt  }
0x5d: {  	_ =	shalt  }
0x5e: {  	_ =	shalt  }
0x5f: {  	_ =	shalt  }
0x60: {  	_ =	shalt  }
0x61: {  	_ =	shalt  }
0x62: {  	_ =	shalt  }
0x63: {  	_ =	shalt  }
0x64: {  	_ =	shalt  }
0x65: {  	_ =	shalt  }
0x66: {  	_ =	shalt  }
0x67: {  	_ =	shalt  }
0x68: {  	_ =	shalt  }
0x69: {  	_ =	shalt  }
0x6a: {  	_ =	shalt  }
0x6b: {  	_ =	shalt  }
0x6c: {  	_ =	shalt  }
0x6d: {  	_ =	shalt  }
0x6e: {  	_ =	shalt  }
0x6f: {  	_ =	shalt  }
0x70: {  	_ =	shalt  }
0x71: {  	_ =	shalt  }
0x72: {  	_ =	shalt  }
0x73: {  	_ =	shalt  }
0x74: {  	_ =	shalt  }
0x75: {  	_ =	shalt  }
0x76: {  	_ =	shalt  }
0x77: {  	_ =	shalt  }
0x78: {  	_ =	shalt  }
0x79: {  	_ =	shalt  }
0x7a: {  	_ =	shalt  }
0x7b: {  	_ =	shalt  }
0x7c: {  	_ =	shalt  }
0x7d: {  	_ =	shalt  }
0x7e: {  	_ =	shalt  }
0x7f: {  	_ =	shalt  }
0x80: {  	_ =	shalt  }
0x81: {  	_ =	shalt  }
0x82: {  	_ =	shalt  }
0x83: {  	_ =	shalt  }
0x84: {  	_ =	shalt  }
0x85: {  	_ =	shalt  }
0x86: {  	_ =	shalt  }
0x87: {  	_ =	shalt  }
.Lfunc_end0:
.L_simem_size_0:
called_computation.1_lowered:
.L_overlay_start_0:
0x88: {  	s2 =	sld [smem:$0x3FD9]  }
0x89: {  	s3 =	sld [smem:$0x3FFE];
	_ =	sdelay $0x1  }
0x8a: {  	s1 =	srdreg.scid  }
0x8b: {  	s0 =	sand.u32 $0x1, s1  }
0x8c: {  	s17 =	sshll.u32 s0, $0xA;
	s2 =	sadd.s32 s3, s2  }
0x8d: {  	s2 =	sadd.s32 s2, s17  }
0x8e: {  	[smem:$0x3FC2] =	sst s2  }
0x8f: {  	_ = 	snop  }
0x90: {  	s2 =	sld [smem:$0x3FD0];
	(tm) =	ssettm $0x1  }
0x91: {  	s18 =	sld [smem:$0x3FFB];
	_ =	sdelay $0x3  }
0x92: {  	_ =	strace s18  }
0x93: {  	s3 =	sld [smem:$0x3FFC];
	_ =	sdelay $0x3  }
0x94: {  	_ =	strace s3  }
0x95: {  	s3 =	sld [smem:$0x3FFD];
	_ =	sdelay $0x3  }
0x96: {  	_ =	strace s3  }
0x97: {  	_ =	strace $0x8FFFFFFF  }
0x98: {  	s19 =	sld [smem:$0x3FDB];
	_ =	sdelay $0x1  }
0x99: {  	s4 =	simm.s32 $_scs_section_size  }
0x9a: {  	s5 =	simm.s32 $_size__tile_overlayer_lowered;
	s6 =	simm.s32 $_tile_overlayer_lowered  }
0x9b: {  	s22 =	simm.s32 $0x1BFF;
	s21 =	sshll.u32 s6, $0x1;
	s3 =	sadd.s32 s4, s19  }
0x9c: {  	s7 =	simm.s32 $0x0;
	s20 =	sshll.u32 s5, $0x1;
	s5 =	sadd.s32 s21, s3  }
0x9d: {  	[timem:s7], [sflag:s22] =	dma.local [hbm:s5], s20  }
0x9e: {  	_ =	swait.ge [sflag:s22], s20  }
0x9f: {  	s4 =	ssub.s32 $0x0, s20;
	[sflag:s22] =	ssyncset.done $0x0  }
0xa0: {  	[sflag:s22] =	ssyncadd.s32 s4;
	_ =	sdelay $0x1  }
0xa1: {  	s23 =	simm.s32 $0x1B8B  }
0xa2: {  	_ =	swait.ge [sflag:s23], $0x1  }
0xa3: {  	[sflag:s23] =	ssyncset.done $0x0  }
0xa4: {  	s25 =	simm.s32 $0x1B8E;
	s24 =	sld [smem:$0x3FFE];
	[sflag:s23] =	ssyncadd.s32 $0xFFFFFFFF  }
0xa5: {  	s26 =	simm.s32 $execute0_lowered;
	[smem:$0x3FD2] =	sst s25  }
0xa6: {  	s5 =	sshll.u32 s26, $0x1;
	_ =	strace $0x80000049;
	[dreg:$0x1] =	wrdreg $0xFFFFFFFF  }
0xa7: {  	s28 =	simm.s32 $_size_execute0_lowered;
	s3 =	sadd.s32 s3, s5;
	[dreg:$0x0] =	wrdreg $0x0  }
0xa8: {  	s5 =	sshll.u32 s28, $0x1;
	[dreg:$0x2] =	wrdreg s3  }
0xa9: {  	[dreg:$0x3] =	wrdreg s5  }
0xaa: {  	[dreg:$0x4] =	wrdreg $0xC0  }
0xab: {  	_ =	task [dreg:s7], $0x5FFFF  }
0xac: {  	[dreg:$0x1] =	wrdreg $0xFFFFFFFF  }
0xad: {  	[dreg:$0x0] =	wrdreg $0x60  }
0xae: {  	[dreg:$0x2] =	wrdreg s24  }
0xaf: {  	[dreg:$0x3] =	wrdreg s2  }
0xb0: {  	[dreg:$0x4] =	wrdreg $0x9  }
0xb1: {  	_ =	task.clear_ibuf [dreg:s7], $0x5FFFF;
	_ =	strace $0x90000049  }
0xb2: {  	s29 =	simm.s32 $0x9;
	_ =	strace $0x8000004B  }
0xb3: {  	_ =	swait.ge [sflag:s29], $0x1  }
0xb4: {  	[sflag:s29] =	ssyncadd.s32 $0xFFFFFFFF  }
0xb5: {  	_ =	strace $0x9000004B  }
0xb6: {  	_ =	sfence  }
0xb7: {  	s30 =	sld [smem:$0x0];
	_ =	sdelay $0x2  }
0xb8: {  	s31 =	sshll.u32 s1, $0xD;
	s1 =	sshrl.u32 s1, $0x2  }
0xb9: {  	s3 =	sand.u32 $0x4000, s31;
	s1 =	sadd.s32 s1, s30  }
0xba: {  	s0 =	sor.u32 s3, s0;
	s1 =	sshll.u32 s1, $0x11  }
0xbb: {  	s0 =	sor.u32 s1, s0  }
0xbc: {  	s0 =	sadd.s32 $0x8F2B, s0  }
0xbd: {  	[sflag:s0] =	ssyncadd.remote.s32 $0x1  }
0xbe: {  	_ =	sfence.sel $0xFFFF  }
0xbf: {  	[dreg:$0x0] =	wrdreg $0xFFFFFFFF;
	(pc) =	sbr.abs _section_cstart, $3  }
0xc0: {  	[dreg:$0x1] =	wrdreg $0xFFFFFFFF  }
0xc1: {  	_ =	task.clear_ibuf [dreg:s7], $0x2FFFF;
	_ =	strace $0x9FFFFFFF  }
0xc2: {  	(tm) =	ssettm $0x7FFFFFFF  }
0xc3: {  	_ =	shalt  }
tec
execute0_lowered:
.L_overlay_start_1:
0x0: {  	(tag) =	ssettag $0x1  }
0x1: {  	s0 =	rddreg [dreg:$0x0]  }
0x2: {  	s3 =	rddreg [dreg:$0x1];
	s2 =	srdreg.scid  }
0x3: {  	s1 =	stileid.u32;
	s16 =	simm.s32 $0x80;
	s17 =	simm.s32 $0x900  }
0x4: {  	s18 =	simm.s32 $0x1100;
	s19 =	simm.s32 $0x1900;
	s20 =	simm.s32 $0x2100  }
0x5: {  	s21 =	simm.s32 $0x2900;
	s4 =	sand.u32 $0x1, s2;
	s2 =	simm.s32 $0x0  }
0x6: {  	s23 =	simm.s32 $0x3100;
	s24 =	simm.s32 $0x3900;
	[smem:$0x7FF] =	sst s2  }
0x7: {  	s25 =	simm.s32 $0x4100;
	_ =	strace $0x8000004A;
	[dreg:$0x7] =	wrdreg s16  }
0x8: {  	s26 =	simm.s32 $0x4900;
	s9 =	simm.s32 $0x5900;
	[dreg:$0x8] =	wrdreg s17  }
0x9: {  	s10 =	simm.s32 $0x6100;
	s11 =	simm.s32 $0x6900;
	[dreg:$0x9] =	wrdreg s18  }
0xa: {  	s12 =	simm.s32 $0x7100;
	s13 =	simm.s32 $0x7900;
	[dreg:$0xa] =	wrdreg s19  }
0xb: {  	s28 =	simm.s32 $0xE900;
	s29 =	simm.s32 $0xF100;
	[dreg:$0xb] =	wrdreg s20  }
0xc: {  	s30 =	simm.s32 $0xF900;
	s31 =	simm.s32 $0x1;
	[dreg:$0xc] =	wrdreg s21  }
0xd: {  	s6 =	sshll.u32 s1, $0x7;
	s14 =	sshll.u32 s1, $0xD;
	[dreg:$0xd] =	wrdreg s23  }
0xe: {  	s5 =	sshll.u32 s4, $0x3;
	s7 =	sshll.u32 s4, $0xC;
	[dreg:$0xe] =	wrdreg s24  }
0xf: {  	s4 =	ssub.s32 $0x2, s4;
	s5 =	sor.u32 s5, s6;
	[dreg:$0xf] =	wrdreg s25  }
0x10: {  	s6 =	sor.u32 s7, s14;
	s22 =	sshrl.u32 s4, $0x1;
	[dreg:$0x10] =	wrdreg s26  }
0x11: {  	s14 =	simm.s32 $0x8100;
	s16 =	simm.s32 $0x9100;
	s17 =	simm.s32 $0x9900  }
0x12: {  	s18 =	simm.s32 $0xA100;
	s19 =	simm.s32 $0xA900;
	s20 =	simm.s32 $0xB100  }
0x13: {  	s21 =	simm.s32 $0xB900;
	s23 =	simm.s32 $0xC900;
	s24 =	simm.s32 $0xD100  }
0x14: {  	s25 =	simm.s32 $0xD900;
	s26 =	simm.s32 $0xE100;
	s5 =	sadd.s32 s5, s0  }
0x15: {  	s7 =	sadd.s32 s6, s0;
	s3 =	sadd.s32 s3, s6;
	s6 =	ssub.s32 s4, s22  }
0x16: {  	s4 =	sadd.s32 $0x12900, s0;
	s8 =	sadd.s32 $0x2000, s5;
	[dreg:$0x5] =	wrdreg s3  }
0x17: {  	s22 =	simm.s32 $0xC100;
	s5 =	sadd.s32 $0x2010, s5;
	[dreg:$0x3] =	wrdreg s8  }
0x18: {  	v2 =	vlaneseq.u32;
	s15 =	sadd.s32 $0x5BC00, s7;
	s3 =	sadd.s32 $0x12800, s0;
	[dreg:$0x4] =	wrdreg s5  }
0x19: {  	vm0 =	vmmov $0xffff;
	v1 =	vshrl.u32 v2, $0x3;
	s7 =	simm.s32 $0x100;
	s0 =	simm.s32 $0x2;
	[dreg:$0x6] =	wrdreg s15  }
0x1a: {  	v0 =	vand.u32 $0x7, v2;
	v2 =	vor.u32 $0x8, v2;
	v1 =	vmul.u32 $0x8, v1;
	s5 =	smax.u32 s6, $0x1;
	s6 =	simm.s32 $0x3;
	s15 =	simm.s32 $0x8900  }
.LBB2_1:
0x1b: {  	s1 =	rddreg [dreg:$0x3]  }
0x1c: {  	[tilespmem:s2], [sflag:$0x3] =	stream.linear.gather [hbm4b:s1+s2], $0x40, $0x38;
	[tilespmem:$0x10100] =	vst v63  }
0x1d: {  	_ =	swait.ge [sflag:s6], $0x40  }
0x1e: {  	s1 =	rddreg [dreg:$0x4];
	[sflag:s6] =	ssyncset.done $0x0  }
0x1f: {  	s8 =	rddreg [dreg:$0x7];
	[sflag:s6] =	ssyncadd.s32 $0xFFFFFFC0  }
0x20: {  	[tilespmem:s8], [sflag:$0x3] =	stream.linear.gather [hbm4b:s1+s2], $0x40, $0x38;
	[tilespmem:$0x10100] =	vst v63  }
0x21: {  	_ =	swait.ge [sflag:s6], $0x40  }
0x22: {  	[sflag:s6] =	ssyncset.done $0x0  }
0x23: {  	[sflag:s6] =	ssyncadd.s32 $0xFFFFFFC0  }
0x24: {  	v3 =	vld [tilespmem:$0x0];
	_ =	sdelay $0x4  }
0x25: {  	v4 =	vshll.u32 v3, $0x2  }
0x26: {  	v3 =	vand.u32 $0x7, v3;
	v4 =	vand.u32 $0xFFFFFFE0, v4  }
0x27: {  	v3 =	vor.u32 v3, v4  }
0x28: {  	v4 =	vperm.xlane v3, v0;
	_ =	sdelay $0x1  }
0x29: {  	v4 =	vadd.s32 v1, v4;
	_ =	sdelay $0x1  }
0x2a: {  	v3 =	vperm.xlane v3, v2;
	_ =	sdelay $0x1  }
0x2b: {  	v3 =	vadd.s32 v1, v3  }
0x2c: {  	[tilespmem:s7], [sflag:$0x1] =	stream.indirect_vreg.gather [hbm4b:s3+s2], $0x80, v4, vm0, $0xb8;
	[tilespmem:$0x10100] =	vst v63  }
0x2d: {  	s1 =	rddreg [dreg:$0x8]  }
0x2e: {  	[tilespmem:s1], [sflag:$0x1] =	stream.indirect_vreg.gather [hbm4b:s4+s2], $0x80, v4, vm0, $0xb8;
	[tilespmem:$0x10100] =	vst v63  }
0x2f: {  	s8 =	rddreg [dreg:$0x9]  }
0x30: {  	[tilespmem:s8], [sflag:$0x1] =	stream.indirect_vreg.gather [hbm4b:s3+s2], $0x80, v3, vm0, $0xb8;
	[tilespmem:$0x10100] =	vst v63  }
0x31: {  	s1 =	rddreg [dreg:$0xa]  }
0x32: {  	[tilespmem:s1], [sflag:$0x1] =	stream.indirect_vreg.gather [hbm4b:s4+s2], $0x80, v3, vm0, $0xb8;
	[tilespmem:$0x10100] =	vst v63  }
0x33: {  	v3 =	vld [tilespmem:$0x10];
	_ =	sdelay $0x4  }
0x34: {  	v57 =	vshll.u32 v3, $0x2  }
0x35: {  	v3 =	vand.u32 $0x7, v3;
	v4 =	vand.u32 $0xFFFFFFE0, v57  }
0x36: {  	v3 =	vor.u32 v3, v4  }
0x37: {  	v4 =	vperm.xlane v3, v0;
	_ =	sdelay $0x1  }
0x38: {  	v4 =	vadd.s32 v1, v4;
	_ =	sdelay $0x1  }
0x39: {  	v3 =	vperm.xlane v3, v2;
	_ =	sdelay $0x1  }
0x3a: {  	s1 =	rddreg [dreg:$0xb];
	v3 =	vadd.s32 v1, v3  }
0x3b: {  	[tilespmem:s1], [sflag:$0x1] =	stream.indirect_vreg.gather [hbm4b:s3+s2], $0x80, v4, vm0, $0xb8;
	[tilespmem:$0x10100] =	vst v63  }
0x3c: {  	s8 =	rddreg [dreg:$0xc]  }
0x3d: {  	[tilespmem:s8], [sflag:$0x1] =	stream.indirect_vreg.gather [hbm4b:s4+s2], $0x80, v4, vm0, $0xb8;
	[tilespmem:$0x10100] =	vst v63  }
0x3e: {  	s1 =	rddreg [dreg:$0xd]  }
0x3f: {  	[tilespmem:s1], [sflag:$0x1] =	stream.indirect_vreg.gather [hbm4b:s3+s2], $0x80, v3, vm0, $0xb8;
	[tilespmem:$0x10100] =	vst v63  }
0x40: {  	s8 =	rddreg [dreg:$0xe]  }
0x41: {  	[tilespmem:s8], [sflag:$0x1] =	stream.indirect_vreg.gather [hbm4b:s4+s2], $0x80, v3, vm0, $0xb8;
	[tilespmem:$0x10100] =	vst v63  }
0x42: {  	v3 =	vld [tilespmem:$0x20];
	_ =	sdelay $0x4  }
0x43: {  	v58 =	vshll.u32 v3, $0x2  }
0x44: {  	v3 =	vand.u32 $0x7, v3;
	v4 =	vand.u32 $0xFFFFFFE0, v58  }
0x45: {  	v3 =	vor.u32 v3, v4  }
0x46: {  	v4 =	vperm.xlane v3, v0;
	_ =	sdelay $0x1  }
0x47: {  	v4 =	vadd.s32 v1, v4;
	_ =	sdelay $0x1  }
0x48: {  	v3 =	vperm.xlane v3, v2;
	_ =	sdelay $0x1  }
0x49: {  	s1 =	rddreg [dreg:$0xf];
	v3 =	vadd.s32 v1, v3  }
0x4a: {  	[tilespmem:s1], [sflag:$0x1] =	stream.indirect_vreg.gather [hbm4b:s3+s2], $0x80, v4, vm0, $0xb8;
	[tilespmem:$0x10100] =	vst v63  }
0x4b: {  	s8 =	rddreg [dreg:$0x10]  }
0x4c: {  	[tilespmem:s8], [sflag:$0x1] =	stream.indirect_vreg.gather [hbm4b:s4+s2], $0x80, v4, vm0, $0xb8;
	[tilespmem:$0x10100] =	vst v63  }
0x4d: {  	s8 =	simm.s32 $0x5100  }
0x4e: {  	[tilespmem:s8], [sflag:$0x1] =	stream.indirect_vreg.gather [hbm4b:s3+s2], $0x80, v3, vm0, $0xb8;
	[tilespmem:$0x10100] =	vst v63  }
0x4f: {  	_ = 	snop  }
0x50: {  	[tilespmem:s9], [sflag:$0x1] =	stream.indirect_vreg.gather [hbm4b:s4+s2], $0x80, v3, vm0, $0xb8;
	[tilespmem:$0x10100] =	vst v63  }
0x51: {  	v3 =	vld [tilespmem:$0x30];
	_ =	sdelay $0x4  }
0x52: {  	v59 =	vshll.u32 v3, $0x2  }
0x53: {  	v3 =	vand.u32 $0x7, v3;
	v4 =	vand.u32 $0xFFFFFFE0, v59  }
0x54: {  	v3 =	vor.u32 v3, v4  }
0x55: {  	v4 =	vperm.xlane v3, v0;
	_ =	sdelay $0x1  }
0x56: {  	v4 =	vadd.s32 v1, v4;
	_ =	sdelay $0x1  }
0x57: {  	v3 =	vperm.xlane v3, v2;
	_ =	sdelay $0x1  }
0x58: {  	v3 =	vadd.s32 v1, v3  }
0x59: {  	[tilespmem:s10], [sflag:$0x1] =	stream.indirect_vreg.gather [hbm4b:s3+s2], $0x80, v4, vm0, $0xb8;
	[tilespmem:$0x10100] =	vst v63  }
0x5a: {  	_ = 	snop  }
0x5b: {  	[tilespmem:s11], [sflag:$0x1] =	stream.indirect_vreg.gather [hbm4b:s4+s2], $0x80, v4, vm0, $0xb8;
	[tilespmem:$0x10100] =	vst v63  }
0x5c: {  	_ = 	snop  }
0x5d: {  	[tilespmem:s12], [sflag:$0x1] =	stream.indirect_vreg.gather [hbm4b:s3+s2], $0x80, v3, vm0, $0xb8;
	[tilespmem:$0x10100] =	vst v63  }
0x5e: {  	_ = 	snop  }
0x5f: {  	[tilespmem:s13], [sflag:$0x1] =	stream.indirect_vreg.gather [hbm4b:s4+s2], $0x80, v3, vm0, $0xb8;
	[tilespmem:$0x10100] =	vst v63  }
0x60: {  	v3 =	vld [tilespmem:$0x80];
	_ =	sdelay $0x4  }
0x61: {  	v60 =	vshll.u32 v3, $0x2  }
0x62: {  	v3 =	vand.u32 $0x7, v3;
	v4 =	vand.u32 $0xFFFFFFE0, v60  }
0x63: {  	v3 =	vor.u32 v3, v4  }
0x64: {  	v4 =	vperm.xlane v3, v0;
	_ =	sdelay $0x1  }
0x65: {  	v4 =	vadd.s32 v1, v4;
	_ =	sdelay $0x1  }
0x66: {  	v3 =	vperm.xlane v3, v2;
	_ =	sdelay $0x1  }
0x67: {  	v3 =	vadd.s32 v1, v3  }
0x68: {  	[tilespmem:s14], [sflag:$0x2] =	stream.indirect_vreg.gather [hbm4b:s3+s2], $0x80, v4, vm0, $0xb8;
	[tilespmem:$0x10100] =	vst v63  }
0x69: {  	_ = 	snop  }
0x6a: {  	[tilespmem:s15], [sflag:$0x2] =	stream.indirect_vreg.gather [hbm4b:s4+s2], $0x80, v4, vm0, $0xb8;
	[tilespmem:$0x10100] =	vst v63  }
0x6b: {  	_ = 	snop  }
0x6c: {  	[tilespmem:s16], [sflag:$0x2] =	stream.indirect_vreg.gather [hbm4b:s3+s2], $0x80, v3, vm0, $0xb8;
	[tilespmem:$0x10100] =	vst v63  }
0x6d: {  	_ = 	snop  }
0x6e: {  	[tilespmem:s17], [sflag:$0x2] =	stream.indirect_vreg.gather [hbm4b:s4+s2], $0x80, v3, vm0, $0xb8;
	[tilespmem:$0x10100] =	vst v63  }
0x6f: {  	v3 =	vld [tilespmem:$0x90];
	_ =	sdelay $0x4  }
0x70: {  	v61 =	vshll.u32 v3, $0x2  }
0x71: {  	v3 =	vand.u32 $0x7, v3;
	v4 =	vand.u32 $0xFFFFFFE0, v61  }
0x72: {  	v3 =	vor.u32 v3, v4  }
0x73: {  	v4 =	vperm.xlane v3, v0;
	_ =	sdelay $0x1  }
0x74: {  	v4 =	vadd.s32 v1, v4;
	_ =	sdelay $0x1  }
0x75: {  	v3 =	vperm.xlane v3, v2;
	_ =	sdelay $0x1  }
0x76: {  	v3 =	vadd.s32 v1, v3  }
0x77: {  	[tilespmem:s18], [sflag:$0x2] =	stream.indirect_vreg.gather [hbm4b:s3+s2], $0x80, v4, vm0, $0xb8;
	[tilespmem:$0x10100] =	vst v63  }
0x78: {  	_ = 	snop  }
0x79: {  	[tilespmem:s19], [sflag:$0x2] =	stream.indirect_vreg.gather [hbm4b:s4+s2], $0x80, v4, vm0, $0xb8;
	[tilespmem:$0x10100] =	vst v63  }
0x7a: {  	_ = 	snop  }
0x7b: {  	[tilespmem:s20], [sflag:$0x2] =	stream.indirect_vreg.gather [hbm4b:s3+s2], $0x80, v3, vm0, $0xb8;
	[tilespmem:$0x10100] =	vst v63  }
0x7c: {  	_ = 	snop  }
0x7d: {  	[tilespmem:s21], [sflag:$0x2] =	stream.indirect_vreg.gather [hbm4b:s4+s2], $0x80, v3, vm0, $0xb8;
	[tilespmem:$0x10100] =	vst v63  }
0x7e: {  	v3 =	vld [tilespmem:$0xA0];
	_ =	sdelay $0x4  }
0x7f: {  	v62 =	vshll.u32 v3, $0x2  }
0x80: {  	v3 =	vand.u32 $0x7, v3;
	v4 =	vand.u32 $0xFFFFFFE0, v62  }
0x81: {  	v3 =	vor.u32 v3, v4  }
0x82: {  	v4 =	vperm.xlane v3, v0;
	_ =	sdelay $0x1  }
0x83: {  	v4 =	vadd.s32 v1, v4;
	_ =	sdelay $0x1  }
0x84: {  	v3 =	vperm.xlane v3, v2;
	_ =	sdelay $0x1  }
0x85: {  	v3 =	vadd.s32 v1, v3  }
0x86: {  	[tilespmem:s22], [sflag:$0x2] =	stream.indirect_vreg.gather [hbm4b:s3+s2], $0x80, v4, vm0, $0xb8;
	[tilespmem:$0x10100] =	vst v63  }
0x87: {  	_ = 	snop  }
0x88: {  	[tilespmem:s23], [sflag:$0x2] =	stream.indirect_vreg.gather [hbm4b:s4+s2], $0x80, v4, vm0, $0xb8;
	[tilespmem:$0x10100] =	vst v63  }
0x89: {  	_ = 	snop  }
0x8a: {  	[tilespmem:s24], [sflag:$0x2] =	stream.indirect_vreg.gather [hbm4b:s3+s2], $0x80, v3, vm0, $0xb8;
	[tilespmem:$0x10100] =	vst v63  }
0x8b: {  	_ = 	snop  }
0x8c: {  	[tilespmem:s25], [sflag:$0x2] =	stream.indirect_vreg.gather [hbm4b:s4+s2], $0x80, v3, vm0, $0xb8;
	[tilespmem:$0x10100] =	vst v63  }
0x8d: {  	v3 =	vld [tilespmem:$0xB0];
	_ =	sdelay $0x4  }
0x8e: {  	v63 =	vshll.u32 v3, $0x2  }
0x8f: {  	v3 =	vand.u32 $0x7, v3;
	v4 =	vand.u32 $0xFFFFFFE0, v63  }
0x90: {  	v3 =	vor.u32 v3, v4  }
0x91: {  	v4 =	vperm.xlane v3, v0;
	_ =	sdelay $0x1  }
0x92: {  	v4 =	vadd.s32 v1, v4;
	_ =	sdelay $0x1  }
0x93: {  	v3 =	vperm.xlane v3, v2;
	_ =	sdelay $0x1  }
0x94: {  	v3 =	vadd.s32 v1, v3  }
0x95: {  	[tilespmem:s26], [sflag:$0x2] =	stream.indirect_vreg.gather [hbm4b:s3+s2], $0x80, v4, vm0, $0xb8;
	[tilespmem:$0x10100] =	vst v63  }
0x96: {  	_ = 	snop  }
0x97: {  	[tilespmem:s28], [sflag:$0x2] =	stream.indirect_vreg.gather [hbm4b:s4+s2], $0x80, v4, vm0, $0xb8;
	[tilespmem:$0x10100] =	vst v63  }
0x98: {  	_ = 	snop  }
0x99: {  	[tilespmem:s29], [sflag:$0x2] =	stream.indirect_vreg.gather [hbm4b:s3+s2], $0x80, v3, vm0, $0xb8;
	[tilespmem:$0x10100] =	vst v63  }
0x9a: {  	_ = 	snop  }
0x9b: {  	[tilespmem:s30], [sflag:$0x2] =	stream.indirect_vreg.gather [hbm4b:s4+s2], $0x80, v3, vm0, $0xb8;
	[tilespmem:$0x10100] =	vst v63  }
0x9c: {  	_ =	swait.ge [sflag:s31], $0x8000  }
0x9d: {  	[sflag:s31] =	ssyncset.done $0x0  }
0x9e: {  	s8 =	rddreg [dreg:$0x5];
	[sflag:s31] =	ssyncadd.s32 $0xFFFF8000  }
0x9f: {  	[hbm4b:s8+s2] =	stream.linear.scatter [tilespmem:s7], [sflag:$0x3], $0x8000, $0x38;
	[tilespmem:$0x10100] =	vst v63  }
0xa0: {  	_ =	swait.ge [sflag:s6], $0x8000  }
0xa1: {  	[sflag:s6] =	ssyncset.done $0x0  }
0xa2: {  	[sflag:s6] =	ssyncadd.s32 $0xFFFF8000  }
0xa3: {  	_ =	swait.ge [sflag:s0], $0x8000  }
0xa4: {  	p0 =	sne.s32 s5, $0x1;
	[sflag:s0] =	ssyncset.done $0x0  }
.Ltmp0:
0xa5: {  	s8 =	rddreg [dreg:$0x6];
	[sflag:s0] =	ssyncadd.s32 $0xFFFF8000;
	(pc) =	sbr.rel @p0 .LBB2_1-.Ltmp0, $4  }
0xa6: {  	[hbm4b:s8+s2] =	stream.linear.scatter [tilespmem:s14], [sflag:$0x3], $0x8000, $0x38;
	[tilespmem:$0x10100] =	vst v63  }
0xa7: {  	_ =	swait.ge [sflag:s6], $0x8000  }
0xa8: {  	[sflag:s6] =	ssyncset.done $0x0  }
0xa9: {  	s5 =	sadd.s32 $0xFFFFFFFF, s5;
	[sflag:s6] =	ssyncadd.s32 $0xFFFF8000  }
0xaa: {  	_ =	sfence.sel $0x180000  }
0xab: {  	[bflag:$0x0] =	sbarrier.arrive $0xFFFF  }
0xac: {  	_ =	strace $0x9000004A  }
0xad: {  	s0 =	stileid.u32;
	[bflag:$0x2] =	sbarrier.arrive $0xFFFF  }
0xae: {  	p0 =	sne.s32 s0, $0x0;
	s0 =	rddreg [dreg:$0x2]  }
0xaf: {  	s0 =	sadd.s32 @!p0 $0x100000, s0  }
0xb0: {  	[sflag:s0] =	ssyncadd.tile.s32 @!p0 $0x1;
	_ =	shalt  }
.Lfunc_end2:
_tile_overlayer_lowered:
.L_overlay_start_2:
0xb1: {  	(tag) =	ssettag $0x2  }
0xb2: {  	s0 =	rddreg [dreg:$0x0];
	s2 =	stileid.u32  }
0xb3: {  	s1 =	rddreg [dreg:$0x1];
	p0 =	sne.s32 s2, $0x0  }
0xb4: {  	s3 =	rddreg [dreg:$0x2];
	[bflag:$0x3] =	sbarrier.arrive $0xFFFF;
	s2 =	simm.s32 @!p0 $0x1C03  }
0xb5: {  	[timem:s3], [sflag:s2] =	dma.local @!p0 [hbm:s0], s1  }
0xb6: {  	s0 =	simm.s32 @!p0 $0x3  }
0xb7: {  	_ =	swait.ge @!p0 [sflag:s0], s1  }
0xb8: {  	s1 =	ssub.s32 @!p0 $0x0, s1;
	[sflag:s0] =	ssyncset.done @!p0 $0x0  }
0xb9: {  	[sflag:s0] =	ssyncadd.s32 @!p0 s1  }
0xba: {  	[bflag:$0x3] =	sbarrier.arrive $0xFFFF  }
0xbb: {  	_ =	shalt  }

// kernel: kernel.7.cloned.1.call-start
scs
__scs_entry_jumppad:
0x0: {  	(pc) =	sbr.rel $0x88, $3  }
0x1: {  	(tag) =	ssettag $0x0;
	lr =	simm.s32 $0x1  }
0x2: {  	[smem:$0x3F9B] =	sst lr;
	_ =	strace $0xD0000000  }
0x3: {  	_ = 	snop  }
0x4: {  	_ = 	snop  }
0x5: {  	_ = 	snop  }
0x6: {  	_ = 	snop  }
0x7: {  	_ = 	snop  }
__scs_overlays_trampoline_lowered:
0x8: {  	[smem:$0x3FAA] =	sst s0  }
0x9: {  	[smem:$0x3FAB] =	sst s1  }
0xa: {  	[smem:$0x3FAC] =	sst s2  }
0xb: {  	[smem:$0x3FAD] =	sst s3  }
0xc: {  	[smem:$0x3FAE] =	sst s4  }
0xd: {  	[smem:$0x3FAF] =	sst s5  }
0xe: {  	[smem:$0x3FB0] =	sst s6  }
0xf: {  	[smem:$0x3FB1] =	sst s7  }
0x10: {  	[smem:$0x3FB2] =	sst s8  }
0x11: {  	[smem:$0x3FB3] =	sst s9;
	s0 =	simm.s32 @!p0 $0x0  }
0x12: {  	s1 =	sld [smem:$0x3F99];
	s0 =	simm.s32 @p0 $0x1  }
0x13: {  	[smem:$0x3FB4] =	sst s0;
	s0 =	simm.s32 @!p1 $0x0  }
0x14: {  	s2 =	sld [smem:$0x3F98];
	s0 =	simm.s32 @p1 $0x1  }
0x15: {  	[smem:$0x3FB5] =	sst s0;
	s0 =	simm.s32 @!p2 $0x0  }
0x16: {  	s3 =	sld [smem:$0x3FDB];
	s0 =	simm.s32 @p2 $0x1  }
0x17: {  	s4 =	simm.s32 $0x1BF5;
	[smem:$0x3FB7] =	sst s0  }
0x18: {  	s0 =	sld [smem:$0x3F9A];
	_ =	swait.ge [sflag:s4], $0x0  }
0x19: {  	s7 =	sld [smem:$0x3F9B]  }
0x1a: {  	s8 =	sadd.s32 $0xFFFFE003, lr  }
0x1b: {  	s9 =	sadd.s32 $0xFFFFFEF7, lr;
	s5 =	simm.s32 $0xFFFFFFFF;
	p2 =	slt.u32 s8, $0xFFFFF086  }
0x1c: {  	p1 =	slt.u32 s9, $0xF7A;
	s5 =	simm.s32 @!p2 $0x0  }
0x1d: {  	s5 =	simm.s32 @p1 $0x1;
	p0 =	seq.s32 s7, s2  }
0x1e: {  	s7 =	smul.u32 @!p0 $0xF7A, s2;
	p2 =	seq.s32 @!p0 s5, $0x0  }
0x1f: {  	s9 =	smul.u32 $0xF7A, s1;
	s8 =	simm.s32 @!p0 $0x1BF5;
	p2 =	por !p2, p0  }
0x20: {  	[sflag:s8] =	ssyncset.s32 @!p0 $0xFFFFF086;
	s6 =	sadd.s32 @!p0 s3, s7;
	s7 =	simm.s32 @!p0 $0x108  }
0x21: {  	s3 =	sadd.s32 s3, s9;
	s6 =	sadd.s32 @!p0 $0x88, s6;
	s7 =	simm.s32 @p2 $0x1082  }
0x22: {  	[simem:s7], [sflag:s8] =	dma.local @!p0 [hbm:s6], $0xF7A  }
0x23: {  	s9 =	sor.u32 $0xD0000000, s2;
	s6 =	simm.s32 $0x108;
	_ =	swait.ge @!p0 [sflag:s8], $0x0  }
0x24: {  	s3 =	sadd.s32 $0x88, s3;
	s6 =	simm.s32 @!p1 $0x1082;
	[sflag:s4] =	ssyncset.s32 $0xFFFFF086  }
0x25: {  	[simem:s6], [sflag:s4] =	dma.local [hbm:s3], $0xF7A  }
0x26: {  	[smem:$0x3F9B] =	sst s1;
	(tag) =	ssettag s2;
	_ =	strace s9  }
0x27: {  	s1 =	sld [smem:$0x3FAB]  }
0x28: {  	s2 =	sld [smem:$0x3FAC]  }
0x29: {  	s4 =	sld [smem:$0x3FAE]  }
0x2a: {  	p0 =	seq.s32 s5, $0x0;
	s5 =	sld [smem:$0x3FAF]  }
0x2b: {  	s6 =	sld [smem:$0x3FB0]  }
0x2c: {  	s7 =	sld [smem:$0x3FB1]  }
0x2d: {  	s3 =	simm.s32 $0x108;
	s8 =	sld [smem:$0x3FB2]  }
0x2e: {  	s3 =	simm.s32 @!p0 $0x1082;
	s9 =	sld [smem:$0x3FB3]  }
0x2f: {  	lr =	sadd.s32 s0, s3;
	s0 =	sld [smem:$0x3FAA]  }
0x30: {  	s3 =	sld [smem:$0x3FAD]  }
0x31: {  	[smem:$0x3FB6] =	sst s10  }
0x32: {  	s10 =	sld [smem:$0x3FB4];
	_ =	sdelay $0x3  }
0x33: {  	p0 =	seq.s32 s10, $0x1;
	s10 =	sld [smem:$0x3FB6];
	_ =	sdelay $0x3  }
0x34: {  	[smem:$0x3FB6] =	sst s10  }
0x35: {  	s10 =	sld [smem:$0x3FB5];
	_ =	sdelay $0x3  }
0x36: {  	p1 =	seq.s32 s10, $0x1;
	s10 =	sld [smem:$0x3FB6];
	_ =	sdelay $0x3  }
0x37: {  	[smem:$0x3FB6] =	sst s10  }
0x38: {  	s10 =	sld [smem:$0x3FB7]  }
0x39: {  	_ = 	snop;
	(pc) =	sbr.ind lr, $3  }
0x3a: {  	_ = 	snop  }
0x3b: {  	_ = 	snop  }
0x3c: {  	p2 =	seq.s32 s10, $0x1;
	s10 =	sld [smem:$0x3FB6]  }
0x3d: {  	_ =	shalt  }
0x3e: {  	_ =	shalt  }
0x3f: {  	_ =	shalt  }
0x40: {  	_ =	shalt  }
0x41: {  	_ =	shalt  }
0x42: {  	_ =	shalt  }
0x43: {  	_ =	shalt  }
0x44: {  	_ =	shalt  }
0x45: {  	_ =	shalt  }
0x46: {  	_ =	shalt  }
0x47: {  	_ =	shalt  }
0x48: {  	_ =	shalt  }
0x49: {  	_ =	shalt  }
0x4a: {  	_ =	shalt  }
0x4b: {  	_ =	shalt  }
0x4c: {  	_ =	shalt  }
0x4d: {  	_ =	shalt  }
0x4e: {  	_ =	shalt  }
0x4f: {  	_ =	shalt  }
0x50: {  	_ =	shalt  }
0x51: {  	_ =	shalt  }
0x52: {  	_ =	shalt  }
0x53: {  	_ =	shalt  }
0x54: {  	_ =	shalt  }
0x55: {  	_ =	shalt  }
0x56: {  	_ =	shalt  }
0x57: {  	_ =	shalt  }
0x58: {  	_ =	shalt  }
0x59: {  	_ =	shalt  }
0x5a: {  	_ =	shalt  }
0x5b: {  	_ =	shalt  }
0x5c: {  	_ =	shalt  }
0x5d: {  	_ =	shalt  }
0x5e: {  	_ =	shalt  }
0x5f: {  	_ =	shalt  }
0x60: {  	_ =	shalt  }
0x61: {  	_ =	shalt  }
0x62: {  	_ =	shalt  }
0x63: {  	_ =	shalt  }
0x64: {  	_ =	shalt  }
0x65: {  	_ =	shalt  }
0x66: {  	_ =	shalt  }
0x67: {  	_ =	shalt  }
0x68: {  	_ =	shalt  }
0x69: {  	_ =	shalt  }
0x6a: {  	_ =	shalt  }
0x6b: {  	_ =	shalt  }
0x6c: {  	_ =	shalt  }
0x6d: {  	_ =	shalt  }
0x6e: {  	_ =	shalt  }
0x6f: {  	_ =	shalt  }
0x70: {  	_ =	shalt  }
0x71: {  	_ =	shalt  }
0x72: {  	_ =	shalt  }
0x73: {  	_ =	shalt  }
0x74: {  	_ =	shalt  }
0x75: {  	_ =	shalt  }
0x76: {  	_ =	shalt  }
0x77: {  	_ =	shalt  }
0x78: {  	_ =	shalt  }
0x79: {  	_ =	shalt  }
0x7a: {  	_ =	shalt  }
0x7b: {  	_ =	shalt  }
0x7c: {  	_ =	shalt  }
0x7d: {  	_ =	shalt  }
0x7e: {  	_ =	shalt  }
0x7f: {  	_ =	shalt  }
0x80: {  	_ =	shalt  }
0x81: {  	_ =	shalt  }
0x82: {  	_ =	shalt  }
0x83: {  	_ =	shalt  }
0x84: {  	_ =	shalt  }
0x85: {  	_ =	shalt  }
0x86: {  	_ =	shalt  }
0x87: {  	_ =	shalt  }
.Lfunc_end0:
.L_simem_size_0:
called_computation_lowered:
.L_overlay_start_0:
0x88: {  	s2 =	sld [smem:$0x3FD9]  }
0x89: {  	s3 =	sld [smem:$0x3FFE];
	_ =	sdelay $0x1  }
0x8a: {  	s1 =	srdreg.scid  }
0x8b: {  	s0 =	sand.u32 $0x1, s1  }
0x8c: {  	s17 =	sshll.u32 s0, $0xA;
	s2 =	sadd.s32 s3, s2  }
0x8d: {  	s2 =	sadd.s32 s2, s17  }
0x8e: {  	[smem:$0x3FC2] =	sst s2  }
0x8f: {  	_ = 	snop  }
0x90: {  	s2 =	sld [smem:$0x3FD0];
	(tm) =	ssettm $0x1  }
0x91: {  	s18 =	sld [smem:$0x3FFB];
	_ =	sdelay $0x3  }
0x92: {  	_ =	strace s18  }
0x93: {  	s3 =	sld [smem:$0x3FFC];
	_ =	sdelay $0x3  }
0x94: {  	_ =	strace s3  }
0x95: {  	s3 =	sld [smem:$0x3FFD];
	_ =	sdelay $0x3  }
0x96: {  	_ =	strace s3  }
0x97: {  	_ =	strace $0x8FFFFFFF  }
0x98: {  	s19 =	sld [smem:$0x3FDB];
	_ =	sdelay $0x1  }
0x99: {  	s4 =	simm.s32 $_scs_section_size  }
0x9a: {  	s5 =	simm.s32 $_size__tile_overlayer_lowered;
	s6 =	simm.s32 $_tile_overlayer_lowered  }
0x9b: {  	s22 =	simm.s32 $0x1BFF;
	s21 =	sshll.u32 s6, $0x1;
	s3 =	sadd.s32 s4, s19  }
0x9c: {  	s7 =	simm.s32 $0x0;
	s20 =	sshll.u32 s5, $0x1;
	s5 =	sadd.s32 s21, s3  }
0x9d: {  	[timem:s7], [sflag:s22] =	dma.local [hbm:s5], s20  }
0x9e: {  	_ =	swait.ge [sflag:s22], s20  }
0x9f: {  	s4 =	ssub.s32 $0x0, s20;
	[sflag:s22] =	ssyncset.done $0x0  }
0xa0: {  	[sflag:s22] =	ssyncadd.s32 s4;
	_ =	sdelay $0x1  }
0xa1: {  	s23 =	simm.s32 $0x1B8B  }
0xa2: {  	_ =	swait.ge [sflag:s23], $0x1  }
0xa3: {  	[sflag:s23] =	ssyncset.done $0x0  }
0xa4: {  	s25 =	simm.s32 $0x1B8E;
	s24 =	sld [smem:$0x3FFE];
	[sflag:s23] =	ssyncadd.s32 $0xFFFFFFFF  }
0xa5: {  	s26 =	simm.s32 $execute0_lowered;
	[smem:$0x3FD2] =	sst s25  }
0xa6: {  	s5 =	sshll.u32 s26, $0x1;
	_ =	strace $0x80000046;
	[dreg:$0x1] =	wrdreg $0xFFFFFFFF  }
0xa7: {  	s28 =	simm.s32 $_size_execute0_lowered;
	s3 =	sadd.s32 s3, s5;
	[dreg:$0x0] =	wrdreg $0x0  }
0xa8: {  	s5 =	sshll.u32 s28, $0x1;
	[dreg:$0x2] =	wrdreg s3  }
0xa9: {  	[dreg:$0x3] =	wrdreg s5  }
0xaa: {  	[dreg:$0x4] =	wrdreg $0xC0  }
0xab: {  	_ =	task [dreg:s7], $0x5FFFF  }
0xac: {  	[dreg:$0x1] =	wrdreg $0xFFFFFFFF  }
0xad: {  	[dreg:$0x0] =	wrdreg $0x60  }
0xae: {  	[dreg:$0x2] =	wrdreg s2  }
0xaf: {  	[dreg:$0x3] =	wrdreg s24  }
0xb0: {  	[dreg:$0x4] =	wrdreg $0x9  }
0xb1: {  	_ =	task.clear_ibuf [dreg:s7], $0x5FFFF;
	_ =	strace $0x90000046  }
0xb2: {  	s29 =	simm.s32 $0x9;
	_ =	strace $0x80000048  }
0xb3: {  	_ =	swait.ge [sflag:s29], $0x1  }
0xb4: {  	[sflag:s29] =	ssyncadd.s32 $0xFFFFFFFF  }
0xb5: {  	_ =	strace $0x90000048  }
0xb6: {  	_ =	sfence  }
0xb7: {  	s30 =	sld [smem:$0x0];
	_ =	sdelay $0x2  }
0xb8: {  	s31 =	sshll.u32 s1, $0xD;
	s1 =	sshrl.u32 s1, $0x2  }
0xb9: {  	s3 =	sand.u32 $0x4000, s31;
	s1 =	sadd.s32 s1, s30  }
0xba: {  	s0 =	sor.u32 s3, s0;
	s1 =	sshll.u32 s1, $0x11  }
0xbb: {  	s0 =	sor.u32 s1, s0  }
0xbc: {  	s0 =	sadd.s32 $0x8F2B, s0  }
0xbd: {  	[sflag:s0] =	ssyncadd.remote.s32 $0x1  }
0xbe: {  	_ =	sfence.sel $0xFFFF  }
0xbf: {  	[dreg:$0x0] =	wrdreg $0xFFFFFFFF;
	(pc) =	sbr.abs _section_cstart, $3  }
0xc0: {  	[dreg:$0x1] =	wrdreg $0xFFFFFFFF  }
0xc1: {  	_ =	task.clear_ibuf [dreg:s7], $0x2FFFF;
	_ =	strace $0x9FFFFFFF  }
0xc2: {  	(tm) =	ssettm $0x7FFFFFFF  }
0xc3: {  	_ =	shalt  }
tec
execute0_lowered:
.L_overlay_start_1:
0x0: {  	(tag) =	ssettag $0x1  }
0x1: {  	s4 =	rddreg [dreg:$0x0]  }
0x2: {  	s7 =	rddreg [dreg:$0x1]  }
0x3: {  	s0 =	rddreg [dreg:$0x2]  }
0x4: {  	s3 =	srdreg.scid;
	s2 =	simm.s32 $0x0;
	s1 =	stileid.u32  }
0x5: {  	s11 =	simm.s32 $0x8080;
	s12 =	simm.s32 $0x800;
	s13 =	simm.s32 $0x1000  }
0x6: {  	s14 =	simm.s32 $0x1800;
	s15 =	simm.s32 $0x2000;
	s16 =	simm.s32 $0x2800  }
0x7: {  	s17 =	simm.s32 $0x3000;
	s18 =	simm.s32 $0x3800;
	s19 =	simm.s32 $0x4000  }
0x8: {  	s20 =	simm.s32 $0x4800;
	s21 =	simm.s32 $0x5000;
	s22 =	simm.s32 $0x5800  }
0x9: {  	s23 =	simm.s32 $0x6000;
	s24 =	simm.s32 $0x6800;
	s25 =	simm.s32 $0x7000  }
0xa: {  	s26 =	simm.s32 $0x7800;
	s28 =	simm.s32 $0x1;
	s29 =	simm.s32 $0x2  }
0xb: {  	s3 =	sand.u32 $0x1, s3;
	[smem:$0x7FF] =	sst s2;
	s6 =	sshll.u32 s1, $0x7  }
0xc: {  	s8 =	sshll.u32 s1, $0xD;
	s5 =	sshll.u32 s3, $0x3;
	_ =	strace $0x80000047  }
0xd: {  	s30 =	ssub.s32 $0x2, s3;
	s3 =	sshll.u32 s3, $0xC;
	s5 =	sor.u32 s5, s6  }
0xe: {  	s31 =	sshrl.u32 s30, $0x1;
	s8 =	sor.u32 s3, s8;
	s3 =	sadd.s32 $0x12A00, s7  }
0xf: {  	v2 =	vlaneseq.u32;
	s9 =	sadd.s32 s5, s7;
	s10 =	ssub.s32 s30, s31;
	s4 =	sadd.s32 s4, s8  }
0x10: {  	vm0 =	vmmov $0xffff;
	v1 =	vshrl.u32 v2, $0x3;
	s7 =	sadd.s32 $0x12B00, s7;
	s5 =	sadd.s32 $0x2000, s9;
	s6 =	sadd.s32 $0x2010, s9  }
0x11: {  	v0 =	vand.u32 $0x7, v2;
	v2 =	vor.u32 $0x8, v2;
	v1 =	vmul.u32 $0x8, v1;
	s8 =	smax.u32 s10, $0x1;
	s9 =	simm.s32 $0x3;
	s10 =	simm.s32 $0x8000  }
.LBB2_1:
0x12: {  	[tilespmem:s2], [sflag:$0x3] =	stream.linear.gather [hbm4b:s4+s2], $0x8000, $0x38;
	[tilespmem:$0x8100] =	vst v63  }
0x13: {  	_ =	swait.ge [sflag:s9], $0x8000  }
0x14: {  	[sflag:s9] =	ssyncset.done $0x0  }
0x15: {  	[sflag:s9] =	ssyncadd.s32 $0xFFFF8000  }
0x16: {  	[tilespmem:s10], [sflag:$0x3] =	stream.linear.gather [hbm4b:s5+s2], $0x40, $0x38;
	[tilespmem:$0x8100] =	vst v63  }
0x17: {  	_ =	swait.ge [sflag:s9], $0x40  }
0x18: {  	[sflag:s9] =	ssyncset.done $0x0  }
0x19: {  	[sflag:s9] =	ssyncadd.s32 $0xFFFFFFC0  }
0x1a: {  	[tilespmem:s11], [sflag:$0x3] =	stream.linear.gather [hbm4b:s6+s2], $0x40, $0x38;
	[tilespmem:$0x8100] =	vst v63  }
0x1b: {  	_ =	swait.ge [sflag:s9], $0x40  }
0x1c: {  	[sflag:s9] =	ssyncset.done $0x0  }
0x1d: {  	[sflag:s9] =	ssyncadd.s32 $0xFFFFFFC0  }
0x1e: {  	v3 =	vld [tilespmem:$0x8000];
	_ =	sdelay $0x4  }
0x1f: {  	v4 =	vshll.u32 v3, $0x2  }
0x20: {  	v3 =	vand.u32 $0x7, v3;
	v4 =	vand.u32 $0xFFFFFFE0, v4  }
0x21: {  	v3 =	vor.u32 v3, v4  }
0x22: {  	v4 =	vperm.xlane v3, v0;
	_ =	sdelay $0x1  }
0x23: {  	v4 =	vadd.s32 v1, v4;
	_ =	sdelay $0x1  }
0x24: {  	v3 =	vperm.xlane v3, v2;
	_ =	sdelay $0x1  }
0x25: {  	v3 =	vadd.s32 v1, v3  }
0x26: {  	[hbm4b:s3+s2] =	stream.indirect_vreg.scatter [tilespmem:s2], [sflag:$0x1], $0x80, v4, vm0, $0xb8;
	[tilespmem:$0x8100] =	vst v63  }
0x27: {  	_ = 	snop  }
0x28: {  	[hbm4b:s7+s2] =	stream.indirect_vreg.scatter [tilespmem:s12], [sflag:$0x1], $0x80, v4, vm0, $0xb8;
	[tilespmem:$0x8100] =	vst v63  }
0x29: {  	_ = 	snop  }
0x2a: {  	[hbm4b:s3+s2] =	stream.indirect_vreg.scatter [tilespmem:s13], [sflag:$0x1], $0x80, v3, vm0, $0xb8;
	[tilespmem:$0x8100] =	vst v63  }
0x2b: {  	_ = 	snop  }
0x2c: {  	[hbm4b:s7+s2] =	stream.indirect_vreg.scatter [tilespmem:s14], [sflag:$0x1], $0x80, v3, vm0, $0xb8;
	[tilespmem:$0x8100] =	vst v63  }
0x2d: {  	v3 =	vld [tilespmem:$0x8010];
	_ =	sdelay $0x4  }
0x2e: {  	v57 =	vshll.u32 v3, $0x2  }
0x2f: {  	v3 =	vand.u32 $0x7, v3;
	v4 =	vand.u32 $0xFFFFFFE0, v57  }
0x30: {  	v3 =	vor.u32 v3, v4  }
0x31: {  	v4 =	vperm.xlane v3, v0;
	_ =	sdelay $0x1  }
0x32: {  	v4 =	vadd.s32 v1, v4;
	_ =	sdelay $0x1  }
0x33: {  	v3 =	vperm.xlane v3, v2;
	_ =	sdelay $0x1  }
0x34: {  	v3 =	vadd.s32 v1, v3  }
0x35: {  	[hbm4b:s3+s2] =	stream.indirect_vreg.scatter [tilespmem:s15], [sflag:$0x1], $0x80, v4, vm0, $0xb8;
	[tilespmem:$0x8100] =	vst v63  }
0x36: {  	_ = 	snop  }
0x37: {  	[hbm4b:s7+s2] =	stream.indirect_vreg.scatter [tilespmem:s16], [sflag:$0x1], $0x80, v4, vm0, $0xb8;
	[tilespmem:$0x8100] =	vst v63  }
0x38: {  	_ = 	snop  }
0x39: {  	[hbm4b:s3+s2] =	stream.indirect_vreg.scatter [tilespmem:s17], [sflag:$0x1], $0x80, v3, vm0, $0xb8;
	[tilespmem:$0x8100] =	vst v63  }
0x3a: {  	_ = 	snop  }
0x3b: {  	[hbm4b:s7+s2] =	stream.indirect_vreg.scatter [tilespmem:s18], [sflag:$0x1], $0x80, v3, vm0, $0xb8;
	[tilespmem:$0x8100] =	vst v63  }
0x3c: {  	v3 =	vld [tilespmem:$0x8020];
	_ =	sdelay $0x4  }
0x3d: {  	v58 =	vshll.u32 v3, $0x2  }
0x3e: {  	v3 =	vand.u32 $0x7, v3;
	v4 =	vand.u32 $0xFFFFFFE0, v58  }
0x3f: {  	v3 =	vor.u32 v3, v4  }
0x40: {  	v4 =	vperm.xlane v3, v0;
	_ =	sdelay $0x1  }
0x41: {  	v4 =	vadd.s32 v1, v4;
	_ =	sdelay $0x1  }
0x42: {  	v3 =	vperm.xlane v3, v2;
	_ =	sdelay $0x1  }
0x43: {  	v3 =	vadd.s32 v1, v3  }
0x44: {  	[hbm4b:s3+s2] =	stream.indirect_vreg.scatter [tilespmem:s19], [sflag:$0x1], $0x80, v4, vm0, $0xb8;
	[tilespmem:$0x8100] =	vst v63  }
0x45: {  	_ = 	snop  }
0x46: {  	[hbm4b:s7+s2] =	stream.indirect_vreg.scatter [tilespmem:s20], [sflag:$0x1], $0x80, v4, vm0, $0xb8;
	[tilespmem:$0x8100] =	vst v63  }
0x47: {  	_ = 	snop  }
0x48: {  	[hbm4b:s3+s2] =	stream.indirect_vreg.scatter [tilespmem:s21], [sflag:$0x1], $0x80, v3, vm0, $0xb8;
	[tilespmem:$0x8100] =	vst v63  }
0x49: {  	_ = 	snop  }
0x4a: {  	[hbm4b:s7+s2] =	stream.indirect_vreg.scatter [tilespmem:s22], [sflag:$0x1], $0x80, v3, vm0, $0xb8;
	[tilespmem:$0x8100] =	vst v63  }
0x4b: {  	v3 =	vld [tilespmem:$0x8030];
	_ =	sdelay $0x4  }
0x4c: {  	v59 =	vshll.u32 v3, $0x2  }
0x4d: {  	v3 =	vand.u32 $0x7, v3;
	v4 =	vand.u32 $0xFFFFFFE0, v59  }
0x4e: {  	v3 =	vor.u32 v3, v4  }
0x4f: {  	v4 =	vperm.xlane v3, v0;
	_ =	sdelay $0x1  }
0x50: {  	v4 =	vadd.s32 v1, v4;
	_ =	sdelay $0x1  }
0x51: {  	v3 =	vperm.xlane v3, v2;
	_ =	sdelay $0x1  }
0x52: {  	v3 =	vadd.s32 v1, v3  }
0x53: {  	[hbm4b:s3+s2] =	stream.indirect_vreg.scatter [tilespmem:s23], [sflag:$0x1], $0x80, v4, vm0, $0xb8;
	[tilespmem:$0x8100] =	vst v63  }
0x54: {  	_ = 	snop  }
0x55: {  	[hbm4b:s7+s2] =	stream.indirect_vreg.scatter [tilespmem:s24], [sflag:$0x1], $0x80, v4, vm0, $0xb8;
	[tilespmem:$0x8100] =	vst v63  }
0x56: {  	_ = 	snop  }
0x57: {  	[hbm4b:s3+s2] =	stream.indirect_vreg.scatter [tilespmem:s25], [sflag:$0x1], $0x80, v3, vm0, $0xb8;
	[tilespmem:$0x8100] =	vst v63  }
0x58: {  	_ = 	snop  }
0x59: {  	[hbm4b:s7+s2] =	stream.indirect_vreg.scatter [tilespmem:s26], [sflag:$0x1], $0x80, v3, vm0, $0xb8;
	[tilespmem:$0x8100] =	vst v63  }
0x5a: {  	v3 =	vld [tilespmem:$0x8080];
	_ =	sdelay $0x4  }
0x5b: {  	v60 =	vshll.u32 v3, $0x2  }
0x5c: {  	v3 =	vand.u32 $0x7, v3;
	v4 =	vand.u32 $0xFFFFFFE0, v60  }
0x5d: {  	v3 =	vor.u32 v3, v4  }
0x5e: {  	v4 =	vperm.xlane v3, v0;
	_ =	sdelay $0x1  }
0x5f: {  	v4 =	vadd.s32 v1, v4;
	_ =	sdelay $0x1  }
0x60: {  	v3 =	vperm.xlane v3, v2;
	_ =	sdelay $0x1  }
0x61: {  	v3 =	vadd.s32 v1, v3  }
0x62: {  	[hbm4b:s3+s2] =	stream.indirect_vreg.scatter [tilespmem:s2], [sflag:$0x2], $0x80, v4, vm0, $0xb8;
	[tilespmem:$0x8100] =	vst v63  }
0x63: {  	_ = 	snop  }
0x64: {  	[hbm4b:s7+s2] =	stream.indirect_vreg.scatter [tilespmem:s12], [sflag:$0x2], $0x80, v4, vm0, $0xb8;
	[tilespmem:$0x8100] =	vst v63  }
0x65: {  	_ = 	snop  }
0x66: {  	[hbm4b:s3+s2] =	stream.indirect_vreg.scatter [tilespmem:s13], [sflag:$0x2], $0x80, v3, vm0, $0xb8;
	[tilespmem:$0x8100] =	vst v63  }
0x67: {  	_ = 	snop  }
0x68: {  	[hbm4b:s7+s2] =	stream.indirect_vreg.scatter [tilespmem:s14], [sflag:$0x2], $0x80, v3, vm0, $0xb8;
	[tilespmem:$0x8100] =	vst v63  }
0x69: {  	v3 =	vld [tilespmem:$0x8090];
	_ =	sdelay $0x4  }
0x6a: {  	v61 =	vshll.u32 v3, $0x2  }
0x6b: {  	v3 =	vand.u32 $0x7, v3;
	v4 =	vand.u32 $0xFFFFFFE0, v61  }
0x6c: {  	v3 =	vor.u32 v3, v4  }
0x6d: {  	v4 =	vperm.xlane v3, v0;
	_ =	sdelay $0x1  }
0x6e: {  	v4 =	vadd.s32 v1, v4;
	_ =	sdelay $0x1  }
0x6f: {  	v3 =	vperm.xlane v3, v2;
	_ =	sdelay $0x1  }
0x70: {  	v3 =	vadd.s32 v1, v3  }
0x71: {  	[hbm4b:s3+s2] =	stream.indirect_vreg.scatter [tilespmem:s15], [sflag:$0x2], $0x80, v4, vm0, $0xb8;
	[tilespmem:$0x8100] =	vst v63  }
0x72: {  	_ = 	snop  }
0x73: {  	[hbm4b:s7+s2] =	stream.indirect_vreg.scatter [tilespmem:s16], [sflag:$0x2], $0x80, v4, vm0, $0xb8;
	[tilespmem:$0x8100] =	vst v63  }
0x74: {  	_ = 	snop  }
0x75: {  	[hbm4b:s3+s2] =	stream.indirect_vreg.scatter [tilespmem:s17], [sflag:$0x2], $0x80, v3, vm0, $0xb8;
	[tilespmem:$0x8100] =	vst v63  }
0x76: {  	_ = 	snop  }
0x77: {  	[hbm4b:s7+s2] =	stream.indirect_vreg.scatter [tilespmem:s18], [sflag:$0x2], $0x80, v3, vm0, $0xb8;
	[tilespmem:$0x8100] =	vst v63  }
0x78: {  	v3 =	vld [tilespmem:$0x80A0];
	_ =	sdelay $0x4  }
0x79: {  	v62 =	vshll.u32 v3, $0x2  }
0x7a: {  	v3 =	vand.u32 $0x7, v3;
	v4 =	vand.u32 $0xFFFFFFE0, v62  }
0x7b: {  	v3 =	vor.u32 v3, v4  }
0x7c: {  	v4 =	vperm.xlane v3, v0;
	_ =	sdelay $0x1  }
0x7d: {  	v4 =	vadd.s32 v1, v4;
	_ =	sdelay $0x1  }
0x7e: {  	v3 =	vperm.xlane v3, v2;
	_ =	sdelay $0x1  }
0x7f: {  	v3 =	vadd.s32 v1, v3  }
0x80: {  	[hbm4b:s3+s2] =	stream.indirect_vreg.scatter [tilespmem:s19], [sflag:$0x2], $0x80, v4, vm0, $0xb8;
	[tilespmem:$0x8100] =	vst v63  }
0x81: {  	_ = 	snop  }
0x82: {  	[hbm4b:s7+s2] =	stream.indirect_vreg.scatter [tilespmem:s20], [sflag:$0x2], $0x80, v4, vm0, $0xb8;
	[tilespmem:$0x8100] =	vst v63  }
0x83: {  	_ = 	snop  }
0x84: {  	[hbm4b:s3+s2] =	stream.indirect_vreg.scatter [tilespmem:s21], [sflag:$0x2], $0x80, v3, vm0, $0xb8;
	[tilespmem:$0x8100] =	vst v63  }
0x85: {  	_ = 	snop  }
0x86: {  	[hbm4b:s7+s2] =	stream.indirect_vreg.scatter [tilespmem:s22], [sflag:$0x2], $0x80, v3, vm0, $0xb8;
	[tilespmem:$0x8100] =	vst v63  }
0x87: {  	v3 =	vld [tilespmem:$0x80B0];
	_ =	sdelay $0x4  }
0x88: {  	v63 =	vshll.u32 v3, $0x2  }
0x89: {  	v3 =	vand.u32 $0x7, v3;
	v4 =	vand.u32 $0xFFFFFFE0, v63  }
0x8a: {  	v3 =	vor.u32 v3, v4  }
0x8b: {  	v4 =	vperm.xlane v3, v0;
	_ =	sdelay $0x1  }
0x8c: {  	v4 =	vadd.s32 v1, v4;
	_ =	sdelay $0x1  }
0x8d: {  	v3 =	vperm.xlane v3, v2;
	_ =	sdelay $0x1  }
0x8e: {  	v3 =	vadd.s32 v1, v3  }
0x8f: {  	[hbm4b:s3+s2] =	stream.indirect_vreg.scatter [tilespmem:s23], [sflag:$0x2], $0x80, v4, vm0, $0xb8;
	[tilespmem:$0x8100] =	vst v63  }
0x90: {  	_ = 	snop  }
0x91: {  	[hbm4b:s7+s2] =	stream.indirect_vreg.scatter [tilespmem:s24], [sflag:$0x2], $0x80, v4, vm0, $0xb8;
	[tilespmem:$0x8100] =	vst v63  }
0x92: {  	_ = 	snop  }
0x93: {  	[hbm4b:s3+s2] =	stream.indirect_vreg.scatter [tilespmem:s25], [sflag:$0x2], $0x80, v3, vm0, $0xb8;
	[tilespmem:$0x8100] =	vst v63  }
0x94: {  	_ = 	snop  }
0x95: {  	[hbm4b:s7+s2] =	stream.indirect_vreg.scatter [tilespmem:s26], [sflag:$0x2], $0x80, v3, vm0, $0xb8;
	[tilespmem:$0x8100] =	vst v63  }
0x96: {  	p0 =	sne.s32 s8, $0x1;
	_ =	swait.ge [sflag:s28], $0x8000  }
.Ltmp0:
0x97: {  	[sflag:s28] =	ssyncset.done $0x0;
	(pc) =	sbr.rel @p0 .LBB2_1-.Ltmp0, $4  }
0x98: {  	[sflag:s28] =	ssyncadd.s32 $0xFFFF8000  }
0x99: {  	_ =	swait.ge [sflag:s29], $0x8000  }
0x9a: {  	[sflag:s29] =	ssyncset.done $0x0  }
0x9b: {  	s8 =	sadd.s32 $0xFFFFFFFF, s8;
	[sflag:s29] =	ssyncadd.s32 $0xFFFF8000  }
0x9c: {  	_ =	sfence.sel $0x180000  }
0x9d: {  	[bflag:$0x0] =	sbarrier.arrive $0xFFFF  }
0x9e: {  	p0 =	sne.s32 s1, $0x0;
	_ =	strace $0x90000047  }
0x9f: {  	s0 =	sadd.s32 @!p0 $0x100000, s0;
	[bflag:$0x2] =	sbarrier.arrive $0xFFFF  }
0xa0: {  	[sflag:s0] =	ssyncadd.tile.s32 @!p0 $0x1;
	_ =	shalt  }
.Lfunc_end2:
_tile_overlayer_lowered:
.L_overlay_start_2:
0xa1: {  	(tag) =	ssettag $0x2  }
0xa2: {  	s0 =	rddreg [dreg:$0x0];
	s2 =	stileid.u32  }
0xa3: {  	s1 =	rddreg [dreg:$0x1];
	p0 =	sne.s32 s2, $0x0  }
0xa4: {  	s3 =	rddreg [dreg:$0x2];
	[bflag:$0x3] =	sbarrier.arrive $0xFFFF;
	s2 =	simm.s32 @!p0 $0x1C03  }
0xa5: {  	[timem:s3], [sflag:s2] =	dma.local @!p0 [hbm:s0], s1  }
0xa6: {  	s0 =	simm.s32 @!p0 $0x3  }
0xa7: {  	_ =	swait.ge @!p0 [sflag:s0], s1  }
0xa8: {  	s1 =	ssub.s32 @!p0 $0x0, s1;
	[sflag:s0] =	ssyncset.done @!p0 $0x0  }
0xa9: {  	[sflag:s0] =	ssyncadd.s32 @!p0 s1  }
0xaa: {  	[bflag:$0x3] =	sbarrier.arrive $0xFFFF  }
0xab: {  	_ =	shalt  }

</sc_bundles>
